<compile_context>
chip_gen: v7x
topology: tpu7x:2x2x1
jax: 0.10.2.dev20260603
libtpu: 0.0.44.dev20260713+nightly
codegen_flags: <defaults>
</compile_context>

<pallas_src>
import functools

import jax
import jax.numpy as jnp
from jax import lax
from jax.experimental import pallas as pl
from jax.experimental.pallas import tpu as pltpu
from jax.experimental.pallas import tpu_sc as plsc

_N = 10000
_E = 320000
_D = 128
_G = 16
_DOUT = 64
_NC = 2
_NS = 16
_NW = _NC * _NS
_K = 128
_NCHUNK = 80
_EP = _NW * _NCHUNK * _K
_NACC = 10112
_ZROWS = _NACC // _NS
_WROWS = 624
_TAIL = _N - _NS * _WROWS
_BLK = 2000
_NBUF = 2
_KB = 8
_NCHUNKP = _NCHUNK + 2 * _KB

_sc_mesh = plsc.VectorSubcoreMesh(core_axis_name="c", subcore_axis_name="s")



@functools.partial(
    pl.kernel,
    out_type=jax.ShapeDtypeStruct((_NC, _N, _D), jnp.float32),
    mesh=_sc_mesh,
    scratch_types=[
        pltpu.VMEM((_NCHUNK, _K), jnp.int32),
        pltpu.VMEM((_K, _D), jnp.float32),
        pltpu.VMEM_SHARED((_NACC, _D), jnp.float32),
        pltpu.SemaphoreType.DMA,
    ],
)
def _deg_kernel(dstp_hbm, ones_hbm, zdeg_hbm, out_hbm, didx, ones_v, acc, sem):
    c = lax.axis_index("c")
    s = lax.axis_index("s")
    w = c * _NS + s
    pltpu.sync_copy(zdeg_hbm, acc.at[pl.ds(s * _ZROWS, _ZROWS)])
    pltpu.sync_copy(ones_hbm, ones_v)
    pltpu.sync_copy(dstp_hbm.at[w], didx)
    plsc.subcore_barrier()

    def fire(j, carry):
        pltpu.async_copy(ones_v, acc.at[didx.at[j]], sem, add=True)
        return carry

    lax.fori_loop(0, _NCHUNK, fire, 0)

    def drain(j, carry):
        pltpu.make_async_copy(ones_v, acc.at[didx.at[j]], sem).wait()
        return carry

    lax.fori_loop(0, _NCHUNK, drain, 0)
    plsc.subcore_barrier()
    pltpu.sync_copy(acc.at[pl.ds(s * _WROWS, _WROWS)],
                    out_hbm.at[c, pl.ds(s * _WROWS, _WROWS)])

    @pl.when(s == _NS - 1)
    def _():
        pltpu.sync_copy(acc.at[pl.ds(_NS * _WROWS, _TAIL)],
                        out_hbm.at[c, pl.ds(_NS * _WROWS, _TAIL)])


@functools.partial(
    pl.kernel,
    out_type=jax.ShapeDtypeStruct((_NC, _N, _D), jnp.float32),
    mesh=_sc_mesh,
    scratch_types=[
        pltpu.VMEM((_NCHUNK, _K), jnp.int32),
        pltpu.VMEM((_NCHUNK, _K), jnp.int32),
        pltpu.VMEM((_K, _D), jnp.float32),
        pltpu.VMEM_SHARED((_NACC, _D), jnp.float32),
    ],
)
def _agg_kernel(g_hbm, srcp_hbm, dstp_hbm, zrow_hbm, out_hbm,
                sidx, didx, buf, acc):
    c = lax.axis_index("c")
    s = lax.axis_index("s")
    w = c * _NS + s
    pltpu.sync_copy(zrow_hbm, acc.at[pl.ds(s * _ZROWS, _ZROWS)])
    pltpu.sync_copy(srcp_hbm.at[w], sidx)
    pltpu.sync_copy(dstp_hbm.at[w], didx)
    plsc.subcore_barrier()

    def step(j, carry):
        pltpu.sync_copy(g_hbm.at[sidx.at[j]], buf)
        pltpu.sync_copy(buf, acc.at[didx.at[j]], add=True)
        return carry

    lax.fori_loop(0, _NCHUNK, step, 0)
    plsc.subcore_barrier()
    pltpu.sync_copy(acc.at[pl.ds(s * _WROWS, _WROWS)],
                    out_hbm.at[c, pl.ds(s * _WROWS, _WROWS)])

    @pl.when(s == _NS - 1)
    def _():
        pltpu.sync_copy(acc.at[pl.ds(_NS * _WROWS, _TAIL)],
                        out_hbm.at[c, pl.ds(_NS * _WROWS, _TAIL)])



def _dinv_from(degp):
    deg = degp[0, :, 0:1] + degp[1, :, 0:1] + 1.0
    return lax.rsqrt(deg)


def _tc_scale_body(x_ref, w_ref, degp_ref, o_ref):
    dinv = _dinv_from(degp_ref[...])
    h = jnp.dot(x_ref[...], w_ref[...], preferred_element_type=jnp.float32)
    o_ref[...] = h * dinv


def _tc_mid_body(sp_ref, g_ref, degp_ref, b_ref, w_ref, o_ref):
    dinv = _dinv_from(degp_ref[...])
    ssum = sp_ref[0] + sp_ref[1] + g_ref[...]
    h = jnp.maximum(ssum * dinv + b_ref[...], 0.0)
    o_ref[...] = jnp.dot(h, w_ref[...], preferred_element_type=jnp.float32) * dinv


def _tc_pool_body(sp_ref, g_ref, degp_ref, b_ref, batch_ref, wfc_ref, bfc_ref,
                  o_ref, sums_ref, cnt_ref):
    i = pl.program_id(0)
    dinv = _dinv_from(degp_ref[...])
    h = jnp.maximum((sp_ref[0] + sp_ref[1] + g_ref[...]) * dinv + b_ref[...], 0.0)
    gid = lax.broadcasted_iota(jnp.int32, (_BLK, _G), 1)
    onehot = (batch_ref[...] == gid).astype(jnp.float32)
    dn = (((0,), (0,)), ((), ()))
    ps = lax.dot_general(onehot, h, dn, preferred_element_type=jnp.float32)
    pc = lax.dot_general(onehot, jnp.ones((_BLK, _D), jnp.float32), dn,
                         preferred_element_type=jnp.float32)

    @pl.when(i == 0)
    def _():
        sums_ref[...] = jnp.zeros_like(sums_ref)
        cnt_ref[...] = jnp.zeros_like(cnt_ref)

    sums_ref[...] += ps
    cnt_ref[...] += pc
    pooled = sums_ref[...] / jnp.maximum(cnt_ref[...], 1.0)
    o_ref[...] = jnp.dot(pooled, wfc_ref[...],
                         preferred_element_type=jnp.float32) + bfc_ref[...]


def _tc_scale(x, W, degp):
    return pl.pallas_call(
        _tc_scale_body,
        grid=(_N // _BLK,),
        in_specs=[
            pl.BlockSpec((_BLK, _D), lambda i: (i, 0)),
            pl.BlockSpec((_D, _D), lambda i: (0, 0)),
            pl.BlockSpec((2, _BLK, _D), lambda i: (0, i, 0)),
        ],
        out_specs=pl.BlockSpec((_BLK, _D), lambda i: (i, 0)),
        out_shape=jax.ShapeDtypeStruct((_N, _D), jnp.float32),
    )(x, W, degp)


def _tc_mid(sp, g, degp, b, W):
    return pl.pallas_call(
        _tc_mid_body,
        grid=(_N // _BLK,),
        in_specs=[
            pl.BlockSpec((2, _BLK, _D), lambda i: (0, i, 0)),
            pl.BlockSpec((_BLK, _D), lambda i: (i, 0)),
            pl.BlockSpec((2, _BLK, _D), lambda i: (0, i, 0)),
            pl.BlockSpec((1, _D), lambda i: (0, 0)),
            pl.BlockSpec((_D, _D), lambda i: (0, 0)),
        ],
        out_specs=pl.BlockSpec((_BLK, _D), lambda i: (i, 0)),
        out_shape=jax.ShapeDtypeStruct((_N, _D), jnp.float32),
    )(sp, g, degp, b, W)


def _tc_pool(sp, g, degp, b, batchf, Wfc, bfc):
    return pl.pallas_call(
        _tc_pool_body,
        grid=(_N // _BLK,),
        in_specs=[
            pl.BlockSpec((2, _BLK, _D), lambda i: (0, i, 0)),
            pl.BlockSpec((_BLK, _D), lambda i: (i, 0)),
            pl.BlockSpec((2, _BLK, _D), lambda i: (0, i, 0)),
            pl.BlockSpec((1, _D), lambda i: (0, 0)),
            pl.BlockSpec((_BLK, 1), lambda i: (i, 0)),
            pl.BlockSpec((_D, _DOUT), lambda i: (0, 0)),
            pl.BlockSpec((1, _DOUT), lambda i: (0, 0)),
        ],
        out_specs=pl.BlockSpec((_G, _DOUT), lambda i: (0, 0)),
        out_shape=jax.ShapeDtypeStruct((_G, _DOUT), jnp.float32),
        scratch_shapes=[
            pltpu.VMEM((_G, _D), jnp.float32),
            pltpu.VMEM((_G, _D), jnp.float32),
        ],
    )(sp, g, degp, b, batchf, Wfc, bfc)



def kernel(x, edge_index, batch, W1, b1, W2, b2, Wfc, bfc):
    src = edge_index[0].astype(jnp.int32)
    dst = edge_index[1].astype(jnp.int32)
    pad = _EP - _E
    dst_pad = _N + jnp.arange(pad, dtype=jnp.int32) % (_NACC - _N)
    srcp = jnp.concatenate([src, jnp.zeros((pad,), jnp.int32)]).reshape(_NW, _NCHUNK, _K)
    dstp = jnp.concatenate([dst, dst_pad]).reshape(_NW, _NCHUNK, _K)

    ones = jnp.ones((_K, _D), jnp.float32)
    zrow = jnp.zeros((_ZROWS, _D), jnp.float32)

    degp = _deg_kernel(dstp, ones, zrow)

    g1 = _tc_scale(x, W1, degp)
    s1 = _agg_kernel(g1, srcp, dstp, zrow)
    g2 = _tc_mid(s1, g1, degp, b1.reshape(1, _D), W2)
    s2 = _agg_kernel(g2, srcp, dstp, zrow)

    batchf = batch.astype(jnp.int32).reshape(_N, 1)
    return _tc_pool(s2, g2, degp, b2.reshape(1, _D),
                    batchf, Wfc, bfc.reshape(1, _DOUT))

# --- scband reference (transcript-rebuilt; emitter-appended) ---
"""Pipeline reference for scband-gcn-14302241095713 (READ-ONLY COPY).

The authoritative reference and input builder live on the scoring server;
editing this copy changes nothing except your own understanding.
"""

import jax, jax.numpy as jnp
import numpy as np

N = 10000
E = 320000
D_IN = 128
D_H = 128
D_OUT = 64
G = 16


def setup_inputs(seed: int = 0) -> dict:
    key = jax.random.key(seed)
    ks = jax.random.split(key, 9)
    x = jax.random.normal(ks[0], (N, D_IN), dtype=jnp.float32)
    edge_index = jax.random.randint(ks[1], (2, E), 0, N)
    batch = jnp.sort(jax.random.randint(ks[2], (N,), 0, G))
    W1 = jax.random.normal(ks[3], (D_IN, D_H), dtype=jnp.float32) * 0.05
    b1 = jnp.zeros((D_H,), dtype=jnp.float32)
    W2 = jax.random.normal(ks[4], (D_H, D_H), dtype=jnp.float32) * 0.05
    b2 = jnp.zeros((D_H,), dtype=jnp.float32)
    Wfc = jax.random.normal(ks[5], (D_H, D_OUT), dtype=jnp.float32) * 0.05
    bfc = jnp.zeros((D_OUT,), dtype=jnp.float32)
    return {"x": x, "edge_index": edge_index, "batch": batch,
            "W1": W1, "b1": b1, "W2": W2, "b2": b2, "Wfc": Wfc, "bfc": bfc}


def _gcn_conv(x, src, dst, W, b):
    # PyG GCNConv: h = D^{-1/2} (A + I) D^{-1/2} (x W) + b
    n = x.shape[0]
    h = x @ W
    loop = jnp.arange(n)
    s = jnp.concatenate([src, loop])
    d = jnp.concatenate([dst, loop])
    deg = jnp.zeros((n,), h.dtype).at[d].add(1.0)
    dinv = jnp.where(deg > 0, 1.0 / jnp.sqrt(deg), 0.0)
    norm = dinv[s] * dinv[d]
    msgs = h[s] * norm[:, None]
    out = jnp.zeros_like(h).at[d].add(msgs)
    return out + b


def reference(x, edge_index, batch, W1, b1, W2, b2, Wfc, bfc):
    src, dst = edge_index[0], edge_index[1]
    h = jax.nn.relu(_gcn_conv(x, src, dst, W1, b1))
    h = jax.nn.relu(_gcn_conv(h, src, dst, W2, b2))
    sums = jax.ops.segment_sum(h, batch, num_segments=G)
    cnt = jax.ops.segment_sum(jnp.ones((h.shape[0],), h.dtype), batch, num_segments=G)
    pooled = sums / jnp.maximum(cnt, 1.0)[:, None]
    return pooled @ Wfc + bfc

if __name__ == "__main__":
    import jax
    _d = setup_inputs()
    print(jax.jit(kernel)(*tuple(_d.values())))

</pallas_src>

<mosaic_0001>
#map = affine_map<(d0, d1) -> (0, 0, 0)>
#map1 = affine_map<(d0, d1) -> (0, 0)>
module attributes {stable_mosaic.version = 14 : i64} {
  func.func @_deg_kernel(%arg0: i32, %arg1: i32, %arg2: memref<32x80x128xi32, #tpu.memory_space<hbm>>, %arg3: memref<128x128xf32, #tpu.memory_space<hbm>>, %arg4: memref<632x128xf32, #tpu.memory_space<hbm>>, %arg5: memref<2x10000x128xf32, #tpu.memory_space<hbm>>, %arg6: memref<80x128xi32, #tpu.memory_space<vmem>>, %arg7: memref<128x128xf32, #tpu.memory_space<vmem>>, %arg8: memref<10112x128xf32, #tpu.memory_space<vmem_shared>>, %arg9: memref<!tpu.dma_semaphore, #tpu.memory_space<semaphore_mem>>) attributes {dimension_semantics = [#tpu.dimension_semantics<core_parallel>, #tpu.dimension_semantics<subcore_parallel>], iteration_bounds = array<i64: 2, 16>, scalar_prefetch = 0 : i64, scratch_operands = 4 : i64, tpu.core_type = #tpu.core_type<sc_vector_subcore>, window_params = [{transform_indices = #map}, {transform_indices = #map1}, {transform_indices = #map1}, {transform_indices = #map}]} {
    %mul3A = arith.constant 16 : i32
    %mul3A_0 = arith.muli %arg0, %mul3A : i32
    %add3A = arith.addi %mul3A_0, %arg1 : i32
    %mul3A_1 = arith.constant 632 : i32
    %mul3A_2 = arith.muli %arg1, %mul3A_1 : i32
    "tpu.region"() ({
      %run_scoped3A = tpu.sem_alloc : memref<!tpu.dma_semaphore, #tpu.memory_space<semaphore_mem>>
      %dma_start3A = arith.constant 0 : i32
      %dma_start3A_21 = tpu.memref_slice %arg8[%mul3A_2, %dma_start3A] : memref<10112x128xf32, #tpu.memory_space<vmem_shared>> -> memref<632x128xf32, #tpu.memory_space<vmem_shared>>
      tpu.enqueue_dma source(%arg4 : memref<632x128xf32, #tpu.memory_space<hbm>>) target(%dma_start3A_21 : memref<632x128xf32, #tpu.memory_space<vmem_shared>>) target_semaphore(%run_scoped3A : memref<!tpu.dma_semaphore, #tpu.memory_space<semaphore_mem>>)
      %dma_wait3A = arith.constant 0 : i32
      %dma_wait3A_22 = tpu.memref_slice %arg8[%mul3A_2, %dma_wait3A] : memref<10112x128xf32, #tpu.memory_space<vmem_shared>> -> memref<632x128xf32, #tpu.memory_space<vmem_shared>>
      tpu.wait_dma2 semaphore(%run_scoped3A : memref<!tpu.dma_semaphore, #tpu.memory_space<semaphore_mem>>) src(%arg4 : memref<632x128xf32, #tpu.memory_space<hbm>>) dst(%dma_wait3A_22 : memref<632x128xf32, #tpu.memory_space<vmem_shared>>)
      tpu.yield
    }) : () -> ()
    "tpu.region"() ({
      %run_scoped3A = tpu.sem_alloc : memref<!tpu.dma_semaphore, #tpu.memory_space<semaphore_mem>>
      tpu.enqueue_dma source(%arg3 : memref<128x128xf32, #tpu.memory_space<hbm>>) target(%arg7 : memref<128x128xf32, #tpu.memory_space<vmem>>) target_semaphore(%run_scoped3A : memref<!tpu.dma_semaphore, #tpu.memory_space<semaphore_mem>>)
      tpu.wait_dma2 semaphore(%run_scoped3A : memref<!tpu.dma_semaphore, #tpu.memory_space<semaphore_mem>>) src(%arg3 : memref<128x128xf32, #tpu.memory_space<hbm>>) dst(%arg7 : memref<128x128xf32, #tpu.memory_space<vmem>>)
      tpu.yield
    }) : () -> ()
    "tpu.region"() ({
      %run_scoped3A = tpu.sem_alloc : memref<!tpu.dma_semaphore, #tpu.memory_space<semaphore_mem>>
      %dma_start3A = arith.constant 0 : i32
      %dma_start3A_21 = arith.constant 0 : i32
      %dma_start3A_22 = tpu.memref_slice %arg2[%add3A, %dma_start3A, %dma_start3A_21] : memref<32x80x128xi32, #tpu.memory_space<hbm>> -> memref<1x80x128xi32, #tpu.memory_space<hbm>>
      %dma_start3A_23 = tpu.memref_squeeze %dma_start3A_22 : memref<1x80x128xi32, #tpu.memory_space<hbm>> -> memref<80x128xi32, #tpu.memory_space<hbm>>
      %dma_start3A_24 = arith.constant 0 : i32
      %dma_start3A_25 = arith.constant 0 : i32
      %dma_start3A_26 = tpu.memref_slice %arg2[%add3A, %dma_start3A_24, %dma_start3A_25] : memref<32x80x128xi32, #tpu.memory_space<hbm>> -> memref<1x80x128xi32, #tpu.memory_space<hbm>>
      %dma_start3A_27 = tpu.memref_squeeze %dma_start3A_26 : memref<1x80x128xi32, #tpu.memory_space<hbm>> -> memref<80x128xi32, #tpu.memory_space<hbm>>
      tpu.enqueue_dma source(%dma_start3A_27 : memref<80x128xi32, #tpu.memory_space<hbm>>) target(%arg6 : memref<80x128xi32, #tpu.memory_space<vmem>>) target_semaphore(%run_scoped3A : memref<!tpu.dma_semaphore, #tpu.memory_space<semaphore_mem>>)
      %dma_wait3A = arith.constant 0 : i32
      %dma_wait3A_28 = arith.constant 0 : i32
      %dma_wait3A_29 = tpu.memref_slice %arg2[%add3A, %dma_wait3A, %dma_wait3A_28] : memref<32x80x128xi32, #tpu.memory_space<hbm>> -> memref<1x80x128xi32, #tpu.memory_space<hbm>>
      %dma_wait3A_30 = tpu.memref_squeeze %dma_wait3A_29 : memref<1x80x128xi32, #tpu.memory_space<hbm>> -> memref<80x128xi32, #tpu.memory_space<hbm>>
      %dma_wait3A_31 = arith.constant 0 : i32
      %dma_wait3A_32 = arith.constant 0 : i32
      %dma_wait3A_33 = tpu.memref_slice %arg2[%add3A, %dma_wait3A_31, %dma_wait3A_32] : memref<32x80x128xi32, #tpu.memory_space<hbm>> -> memref<1x80x128xi32, #tpu.memory_space<hbm>>
      %dma_wait3A_34 = tpu.memref_squeeze %dma_wait3A_33 : memref<1x80x128xi32, #tpu.memory_space<hbm>> -> memref<80x128xi32, #tpu.memory_space<hbm>>
      tpu.wait_dma2 semaphore(%run_scoped3A : memref<!tpu.dma_semaphore, #tpu.memory_space<semaphore_mem>>) src(%dma_wait3A_34 : memref<80x128xi32, #tpu.memory_space<hbm>>) dst(%arg6 : memref<80x128xi32, #tpu.memory_space<vmem>>)
      tpu.yield
    }) : () -> ()
    %barrier3A = arith.constant 0 : index
    tpu.barrier barrier_id(%barrier3A)
    %scan3A = arith.constant 0 : i32
    %scan3A_3 = arith.constant 0 : i32
    %scan3A_4 = arith.constant 80 : i32
    %scan3A_5 = arith.addi %scan3A_3, %scan3A_4 : i32
    %scan3A_6 = arith.constant 1 : i32
    scf.for %scan3A_21 = %scan3A_3 to %scan3A_5 step %scan3A_6  : i32 {
      %dma_start3A = arith.constant 0 : i32
      %dma_start3A_22 = tpu.memref_slice %arg6[%scan3A_21, %dma_start3A] : memref<80x128xi32, #tpu.memory_space<vmem>> -> memref<1x128xi32, #tpu.memory_space<vmem>>
      %dma_start3A_23 = tpu.memref_squeeze %dma_start3A_22 : memref<1x128xi32, #tpu.memory_space<vmem>> -> memref<128xi32, #tpu.memory_space<vmem>>
      %dma_start3A_24 = arith.constant 0 : i32
      %dma_start3A_25 = arith.constant 0 : i32
      %dma_start3A_26 = tpu.memref_slice %arg8[%dma_start3A_24, %dma_start3A_25] : memref<10112x128xf32, #tpu.memory_space<vmem_shared>> -> memref<10112x128xf32, #tpu.memory_space<vmem_shared>>
      tpu.enqueue_indirect_dma source(%arg7 : memref<128x128xf32, #tpu.memory_space<vmem>>) target(%dma_start3A_26 : memref<10112x128xf32, #tpu.memory_space<vmem_shared>>) offsets(%dma_start3A_23 : memref<128xi32, #tpu.memory_space<vmem>>) semaphore(%arg9 : memref<!tpu.dma_semaphore, #tpu.memory_space<semaphore_mem>>) {add = true}
    }
    %scan3A_7 = arith.constant 80 : i32
    %scan3A_8 = arith.constant 0 : i32
    %scan3A_9 = arith.constant 0 : i32
    %scan3A_10 = arith.constant 80 : i32
    %scan3A_11 = arith.addi %scan3A_9, %scan3A_10 : i32
    %scan3A_12 = arith.constant 1 : i32
    scf.for %scan3A_21 = %scan3A_9 to %scan3A_11 step %scan3A_12  : i32 {
      %dma_wait3A = arith.constant 0 : i32
      %dma_wait3A_22 = tpu.memref_slice %arg6[%scan3A_21, %dma_wait3A] : memref<80x128xi32, #tpu.memory_space<vmem>> -> memref<1x128xi32, #tpu.memory_space<vmem>>
      %dma_wait3A_23 = tpu.memref_squeeze %dma_wait3A_22 : memref<1x128xi32, #tpu.memory_space<vmem>> -> memref<128xi32, #tpu.memory_space<vmem>>
      %dma_wait3A_24 = arith.constant 0 : i32
      %dma_wait3A_25 = arith.constant 0 : i32
      %dma_wait3A_26 = tpu.memref_slice %arg8[%dma_wait3A_24, %dma_wait3A_25] : memref<10112x128xf32, #tpu.memory_space<vmem_shared>> -> memref<10112x128xf32, #tpu.memory_space<vmem_shared>>
      tpu.wait_indirect_dma semaphore(%arg9 : memref<!tpu.dma_semaphore, #tpu.memory_space<semaphore_mem>>) src(%arg7 : memref<128x128xf32, #tpu.memory_space<vmem>>) dst(%dma_wait3A_26 : memref<10112x128xf32, #tpu.memory_space<vmem_shared>>)
    }
    %scan3A_13 = arith.constant 80 : i32
    %barrier3A_14 = arith.constant 0 : index
    tpu.barrier barrier_id(%barrier3A_14)
    %mul3A_15 = arith.constant 624 : i32
    %mul3A_16 = arith.muli %arg1, %mul3A_15 : i32
    %mul3A_17 = arith.constant 624 : i32
    %mul3A_18 = arith.muli %arg1, %mul3A_17 : i32
    "tpu.region"() ({
      %run_scoped3A = tpu.sem_alloc : memref<!tpu.dma_semaphore, #tpu.memory_space<semaphore_mem>>
      %dma_start3A = arith.constant 0 : i32
      %dma_start3A_21 = tpu.memref_slice %arg5[%arg0, %mul3A_18, %dma_start3A] : memref<2x10000x128xf32, #tpu.memory_space<hbm>> -> memref<1x624x128xf32, #tpu.memory_space<hbm>>
      %dma_start3A_22 = tpu.memref_squeeze %dma_start3A_21 : memref<1x624x128xf32, #tpu.memory_space<hbm>> -> memref<624x128xf32, #tpu.memory_space<hbm>>
      %dma_start3A_23 = arith.constant 0 : i32
      %dma_start3A_24 = tpu.memref_slice %arg8[%mul3A_16, %dma_start3A_23] : memref<10112x128xf32, #tpu.memory_space<vmem_shared>> -> memref<624x128xf32, #tpu.memory_space<vmem_shared>>
      tpu.enqueue_dma source(%dma_start3A_24 : memref<624x128xf32, #tpu.memory_space<vmem_shared>>) target(%dma_start3A_22 : memref<624x128xf32, #tpu.memory_space<hbm>>) target_semaphore(%run_scoped3A : memref<!tpu.dma_semaphore, #tpu.memory_space<semaphore_mem>>)
      %dma_wait3A = arith.constant 0 : i32
      %dma_wait3A_25 = tpu.memref_slice %arg5[%arg0, %mul3A_18, %dma_wait3A] : memref<2x10000x128xf32, #tpu.memory_space<hbm>> -> memref<1x624x128xf32, #tpu.memory_space<hbm>>
      %dma_wait3A_26 = tpu.memref_squeeze %dma_wait3A_25 : memref<1x624x128xf32, #tpu.memory_space<hbm>> -> memref<624x128xf32, #tpu.memory_space<hbm>>
      %dma_wait3A_27 = arith.constant 0 : i32
      %dma_wait3A_28 = tpu.memref_slice %arg8[%mul3A_16, %dma_wait3A_27] : memref<10112x128xf32, #tpu.memory_space<vmem_shared>> -> memref<624x128xf32, #tpu.memory_space<vmem_shared>>
      tpu.wait_dma2 semaphore(%run_scoped3A : memref<!tpu.dma_semaphore, #tpu.memory_space<semaphore_mem>>) src(%dma_wait3A_28 : memref<624x128xf32, #tpu.memory_space<vmem_shared>>) dst(%dma_wait3A_26 : memref<624x128xf32, #tpu.memory_space<hbm>>)
      tpu.yield
    }) : () -> ()
    %eq3A = arith.constant 15 : i32
    %eq3A_19 = arith.cmpi eq, %arg1, %eq3A : i32
    %convert_element_type3A = arith.extui %eq3A_19 : i1 to i32
    %cond3A = arith.constant 0 : i32
    %cond3A_20 = arith.cmpi ne, %convert_element_type3A, %cond3A : i32
    scf.if %cond3A_20 {
      "tpu.region"() ({
        %run_scoped3A = tpu.sem_alloc : memref<!tpu.dma_semaphore, #tpu.memory_space<semaphore_mem>>
        %dma_start3A = arith.constant 9984 : i32
        %dma_start3A_21 = arith.constant 0 : i32
        %dma_start3A_22 = tpu.memref_slice %arg5[%arg0, %dma_start3A, %dma_start3A_21] : memref<2x10000x128xf32, #tpu.memory_space<hbm>> -> memref<1x16x128xf32, #tpu.memory_space<hbm>>
        %dma_start3A_23 = tpu.memref_squeeze %dma_start3A_22 : memref<1x16x128xf32, #tpu.memory_space<hbm>> -> memref<16x128xf32, #tpu.memory_space<hbm>>
        %dma_start3A_24 = arith.constant 9984 : i32
        %dma_start3A_25 = arith.constant 0 : i32
        %dma_start3A_26 = tpu.memref_slice %arg8[%dma_start3A_24, %dma_start3A_25] : memref<10112x128xf32, #tpu.memory_space<vmem_shared>> -> memref<16x128xf32, #tpu.memory_space<vmem_shared>>
        tpu.enqueue_dma source(%dma_start3A_26 : memref<16x128xf32, #tpu.memory_space<vmem_shared>>) target(%dma_start3A_23 : memref<16x128xf32, #tpu.memory_space<hbm>>) target_semaphore(%run_scoped3A : memref<!tpu.dma_semaphore, #tpu.memory_space<semaphore_mem>>)
        %dma_wait3A = arith.constant 9984 : i32
        %dma_wait3A_27 = arith.constant 0 : i32
        %dma_wait3A_28 = tpu.memref_slice %arg5[%arg0, %dma_wait3A, %dma_wait3A_27] : memref<2x10000x128xf32, #tpu.memory_space<hbm>> -> memref<1x16x128xf32, #tpu.memory_space<hbm>>
        %dma_wait3A_29 = tpu.memref_squeeze %dma_wait3A_28 : memref<1x16x128xf32, #tpu.memory_space<hbm>> -> memref<16x128xf32, #tpu.memory_space<hbm>>
        %dma_wait3A_30 = arith.constant 9984 : i32
        %dma_wait3A_31 = arith.constant 0 : i32
        %dma_wait3A_32 = tpu.memref_slice %arg8[%dma_wait3A_30, %dma_wait3A_31] : memref<10112x128xf32, #tpu.memory_space<vmem_shared>> -> memref<16x128xf32, #tpu.memory_space<vmem_shared>>
        tpu.wait_dma2 semaphore(%run_scoped3A : memref<!tpu.dma_semaphore, #tpu.memory_space<semaphore_mem>>) src(%dma_wait3A_32 : memref<16x128xf32, #tpu.memory_space<vmem_shared>>) dst(%dma_wait3A_29 : memref<16x128xf32, #tpu.memory_space<hbm>>)
        tpu.yield
      }) : () -> ()
    } else {
    }
    return
  }
}

#map = affine_map<(d0, d1) -> (0, 0)>
#map1 = affine_map<(d0, d1) -> (0, 0, 0)>
module attributes {stable_mosaic.version = 14 : i64} {
  func.func @_agg_kernel(%arg0: i32, %arg1: i32, %arg2: memref<10000x128xf32, #tpu.memory_space<hbm>>, %arg3: memref<32x80x128xi32, #tpu.memory_space<hbm>>, %arg4: memref<32x80x128xi32, #tpu.memory_space<hbm>>, %arg5: memref<632x128xf32, #tpu.memory_space<hbm>>, %arg6: memref<2x10000x128xf32, #tpu.memory_space<hbm>>, %arg7: memref<80x128xi32, #tpu.memory_space<vmem>>, %arg8: memref<80x128xi32, #tpu.memory_space<vmem>>, %arg9: memref<128x128xf32, #tpu.memory_space<vmem>>, %arg10: memref<10112x128xf32, #tpu.memory_space<vmem_shared>>) attributes {dimension_semantics = [#tpu.dimension_semantics<core_parallel>, #tpu.dimension_semantics<subcore_parallel>], iteration_bounds = array<i64: 2, 16>, scalar_prefetch = 0 : i64, scratch_operands = 4 : i64, tpu.core_type = #tpu.core_type<sc_vector_subcore>, window_params = [{transform_indices = #map}, {transform_indices = #map1}, {transform_indices = #map1}, {transform_indices = #map}, {transform_indices = #map1}]} {
    %mul3A = arith.constant 16 : i32
    %mul3A_0 = arith.muli %arg0, %mul3A : i32
    %add3A = arith.addi %mul3A_0, %arg1 : i32
    %mul3A_1 = arith.constant 632 : i32
    %mul3A_2 = arith.muli %arg1, %mul3A_1 : i32
    "tpu.region"() ({
      %run_scoped3A = tpu.sem_alloc : memref<!tpu.dma_semaphore, #tpu.memory_space<semaphore_mem>>
      %dma_start3A = arith.constant 0 : i32
      %dma_start3A_15 = tpu.memref_slice %arg10[%mul3A_2, %dma_start3A] : memref<10112x128xf32, #tpu.memory_space<vmem_shared>> -> memref<632x128xf32, #tpu.memory_space<vmem_shared>>
      tpu.enqueue_dma source(%arg5 : memref<632x128xf32, #tpu.memory_space<hbm>>) target(%dma_start3A_15 : memref<632x128xf32, #tpu.memory_space<vmem_shared>>) target_semaphore(%run_scoped3A : memref<!tpu.dma_semaphore, #tpu.memory_space<semaphore_mem>>)
      %dma_wait3A = arith.constant 0 : i32
      %dma_wait3A_16 = tpu.memref_slice %arg10[%mul3A_2, %dma_wait3A] : memref<10112x128xf32, #tpu.memory_space<vmem_shared>> -> memref<632x128xf32, #tpu.memory_space<vmem_shared>>
      tpu.wait_dma2 semaphore(%run_scoped3A : memref<!tpu.dma_semaphore, #tpu.memory_space<semaphore_mem>>) src(%arg5 : memref<632x128xf32, #tpu.memory_space<hbm>>) dst(%dma_wait3A_16 : memref<632x128xf32, #tpu.memory_space<vmem_shared>>)
      tpu.yield
    }) : () -> ()
    "tpu.region"() ({
      %run_scoped3A = tpu.sem_alloc : memref<!tpu.dma_semaphore, #tpu.memory_space<semaphore_mem>>
      %dma_start3A = arith.constant 0 : i32
      %dma_start3A_15 = arith.constant 0 : i32
      %dma_start3A_16 = tpu.memref_slice %arg3[%add3A, %dma_start3A, %dma_start3A_15] : memref<32x80x128xi32, #tpu.memory_space<hbm>> -> memref<1x80x128xi32, #tpu.memory_space<hbm>>
      %dma_start3A_17 = tpu.memref_squeeze %dma_start3A_16 : memref<1x80x128xi32, #tpu.memory_space<hbm>> -> memref<80x128xi32, #tpu.memory_space<hbm>>
      %dma_start3A_18 = arith.constant 0 : i32
      %dma_start3A_19 = arith.constant 0 : i32
      %dma_start3A_20 = tpu.memref_slice %arg3[%add3A, %dma_start3A_18, %dma_start3A_19] : memref<32x80x128xi32, #tpu.memory_space<hbm>> -> memref<1x80x128xi32, #tpu.memory_space<hbm>>
      %dma_start3A_21 = tpu.memref_squeeze %dma_start3A_20 : memref<1x80x128xi32, #tpu.memory_space<hbm>> -> memref<80x128xi32, #tpu.memory_space<hbm>>
      tpu.enqueue_dma source(%dma_start3A_21 : memref<80x128xi32, #tpu.memory_space<hbm>>) target(%arg7 : memref<80x128xi32, #tpu.memory_space<vmem>>) target_semaphore(%run_scoped3A : memref<!tpu.dma_semaphore, #tpu.memory_space<semaphore_mem>>)
      %dma_wait3A = arith.constant 0 : i32
      %dma_wait3A_22 = arith.constant 0 : i32
      %dma_wait3A_23 = tpu.memref_slice %arg3[%add3A, %dma_wait3A, %dma_wait3A_22] : memref<32x80x128xi32, #tpu.memory_space<hbm>> -> memref<1x80x128xi32, #tpu.memory_space<hbm>>
      %dma_wait3A_24 = tpu.memref_squeeze %dma_wait3A_23 : memref<1x80x128xi32, #tpu.memory_space<hbm>> -> memref<80x128xi32, #tpu.memory_space<hbm>>
      %dma_wait3A_25 = arith.constant 0 : i32
      %dma_wait3A_26 = arith.constant 0 : i32
      %dma_wait3A_27 = tpu.memref_slice %arg3[%add3A, %dma_wait3A_25, %dma_wait3A_26] : memref<32x80x128xi32, #tpu.memory_space<hbm>> -> memref<1x80x128xi32, #tpu.memory_space<hbm>>
      %dma_wait3A_28 = tpu.memref_squeeze %dma_wait3A_27 : memref<1x80x128xi32, #tpu.memory_space<hbm>> -> memref<80x128xi32, #tpu.memory_space<hbm>>
      tpu.wait_dma2 semaphore(%run_scoped3A : memref<!tpu.dma_semaphore, #tpu.memory_space<semaphore_mem>>) src(%dma_wait3A_28 : memref<80x128xi32, #tpu.memory_space<hbm>>) dst(%arg7 : memref<80x128xi32, #tpu.memory_space<vmem>>)
      tpu.yield
    }) : () -> ()
    "tpu.region"() ({
      %run_scoped3A = tpu.sem_alloc : memref<!tpu.dma_semaphore, #tpu.memory_space<semaphore_mem>>
      %dma_start3A = arith.constant 0 : i32
      %dma_start3A_15 = arith.constant 0 : i32
      %dma_start3A_16 = tpu.memref_slice %arg4[%add3A, %dma_start3A, %dma_start3A_15] : memref<32x80x128xi32, #tpu.memory_space<hbm>> -> memref<1x80x128xi32, #tpu.memory_space<hbm>>
      %dma_start3A_17 = tpu.memref_squeeze %dma_start3A_16 : memref<1x80x128xi32, #tpu.memory_space<hbm>> -> memref<80x128xi32, #tpu.memory_space<hbm>>
      %dma_start3A_18 = arith.constant 0 : i32
      %dma_start3A_19 = arith.constant 0 : i32
      %dma_start3A_20 = tpu.memref_slice %arg4[%add3A, %dma_start3A_18, %dma_start3A_19] : memref<32x80x128xi32, #tpu.memory_space<hbm>> -> memref<1x80x128xi32, #tpu.memory_space<hbm>>
      %dma_start3A_21 = tpu.memref_squeeze %dma_start3A_20 : memref<1x80x128xi32, #tpu.memory_space<hbm>> -> memref<80x128xi32, #tpu.memory_space<hbm>>
      tpu.enqueue_dma source(%dma_start3A_21 : memref<80x128xi32, #tpu.memory_space<hbm>>) target(%arg8 : memref<80x128xi32, #tpu.memory_space<vmem>>) target_semaphore(%run_scoped3A : memref<!tpu.dma_semaphore, #tpu.memory_space<semaphore_mem>>)
      %dma_wait3A = arith.constant 0 : i32
      %dma_wait3A_22 = arith.constant 0 : i32
      %dma_wait3A_23 = tpu.memref_slice %arg4[%add3A, %dma_wait3A, %dma_wait3A_22] : memref<32x80x128xi32, #tpu.memory_space<hbm>> -> memref<1x80x128xi32, #tpu.memory_space<hbm>>
      %dma_wait3A_24 = tpu.memref_squeeze %dma_wait3A_23 : memref<1x80x128xi32, #tpu.memory_space<hbm>> -> memref<80x128xi32, #tpu.memory_space<hbm>>
      %dma_wait3A_25 = arith.constant 0 : i32
      %dma_wait3A_26 = arith.constant 0 : i32
      %dma_wait3A_27 = tpu.memref_slice %arg4[%add3A, %dma_wait3A_25, %dma_wait3A_26] : memref<32x80x128xi32, #tpu.memory_space<hbm>> -> memref<1x80x128xi32, #tpu.memory_space<hbm>>
      %dma_wait3A_28 = tpu.memref_squeeze %dma_wait3A_27 : memref<1x80x128xi32, #tpu.memory_space<hbm>> -> memref<80x128xi32, #tpu.memory_space<hbm>>
      tpu.wait_dma2 semaphore(%run_scoped3A : memref<!tpu.dma_semaphore, #tpu.memory_space<semaphore_mem>>) src(%dma_wait3A_28 : memref<80x128xi32, #tpu.memory_space<hbm>>) dst(%arg8 : memref<80x128xi32, #tpu.memory_space<vmem>>)
      tpu.yield
    }) : () -> ()
    %barrier3A = arith.constant 0 : index
    tpu.barrier barrier_id(%barrier3A)
    %scan3A = arith.constant 0 : i32
    %scan3A_3 = arith.constant 0 : i32
    %scan3A_4 = arith.constant 80 : i32
    %scan3A_5 = arith.addi %scan3A_3, %scan3A_4 : i32
    %scan3A_6 = arith.constant 1 : i32
    scf.for %scan3A_15 = %scan3A_3 to %scan3A_5 step %scan3A_6  : i32 {
      "tpu.region"() ({
        %run_scoped3A = tpu.sem_alloc : memref<!tpu.dma_semaphore, #tpu.memory_space<semaphore_mem>>
        %dma_start3A = arith.constant 0 : i32
        %dma_start3A_16 = tpu.memref_slice %arg7[%scan3A_15, %dma_start3A] : memref<80x128xi32, #tpu.memory_space<vmem>> -> memref<1x128xi32, #tpu.memory_space<vmem>>
        %dma_start3A_17 = tpu.memref_squeeze %dma_start3A_16 : memref<1x128xi32, #tpu.memory_space<vmem>> -> memref<128xi32, #tpu.memory_space<vmem>>
        %dma_start3A_18 = arith.constant 0 : i32
        %dma_start3A_19 = arith.constant 0 : i32
        %dma_start3A_20 = tpu.memref_slice %arg2[%dma_start3A_18, %dma_start3A_19] : memref<10000x128xf32, #tpu.memory_space<hbm>> -> memref<10000x128xf32, #tpu.memory_space<hbm>>
        tpu.enqueue_indirect_dma source(%dma_start3A_20 : memref<10000x128xf32, #tpu.memory_space<hbm>>) target(%arg9 : memref<128x128xf32, #tpu.memory_space<vmem>>) offsets(%dma_start3A_17 : memref<128xi32, #tpu.memory_space<vmem>>) semaphore(%run_scoped3A : memref<!tpu.dma_semaphore, #tpu.memory_space<semaphore_mem>>)
        %dma_wait3A = arith.constant 0 : i32
        %dma_wait3A_21 = tpu.memref_slice %arg7[%scan3A_15, %dma_wait3A] : memref<80x128xi32, #tpu.memory_space<vmem>> -> memref<1x128xi32, #tpu.memory_space<vmem>>
        %dma_wait3A_22 = tpu.memref_squeeze %dma_wait3A_21 : memref<1x128xi32, #tpu.memory_space<vmem>> -> memref<128xi32, #tpu.memory_space<vmem>>
        %dma_wait3A_23 = arith.constant 0 : i32
        %dma_wait3A_24 = arith.constant 0 : i32
        %dma_wait3A_25 = tpu.memref_slice %arg2[%dma_wait3A_23, %dma_wait3A_24] : memref<10000x128xf32, #tpu.memory_space<hbm>> -> memref<10000x128xf32, #tpu.memory_space<hbm>>
        tpu.wait_indirect_dma semaphore(%run_scoped3A : memref<!tpu.dma_semaphore, #tpu.memory_space<semaphore_mem>>) src(%dma_wait3A_25 : memref<10000x128xf32, #tpu.memory_space<hbm>>) dst(%arg9 : memref<128x128xf32, #tpu.memory_space<vmem>>)
        tpu.yield
      }) : () -> ()
      "tpu.region"() ({
        %run_scoped3A = tpu.sem_alloc : memref<!tpu.dma_semaphore, #tpu.memory_space<semaphore_mem>>
        %dma_start3A = arith.constant 0 : i32
        %dma_start3A_16 = tpu.memref_slice %arg8[%scan3A_15, %dma_start3A] : memref<80x128xi32, #tpu.memory_space<vmem>> -> memref<1x128xi32, #tpu.memory_space<vmem>>
        %dma_start3A_17 = tpu.memref_squeeze %dma_start3A_16 : memref<1x128xi32, #tpu.memory_space<vmem>> -> memref<128xi32, #tpu.memory_space<vmem>>
        %dma_start3A_18 = arith.constant 0 : i32
        %dma_start3A_19 = arith.constant 0 : i32
        %dma_start3A_20 = tpu.memref_slice %arg10[%dma_start3A_18, %dma_start3A_19] : memref<10112x128xf32, #tpu.memory_space<vmem_shared>> -> memref<10112x128xf32, #tpu.memory_space<vmem_shared>>
        tpu.enqueue_indirect_dma source(%arg9 : memref<128x128xf32, #tpu.memory_space<vmem>>) target(%dma_start3A_20 : memref<10112x128xf32, #tpu.memory_space<vmem_shared>>) offsets(%dma_start3A_17 : memref<128xi32, #tpu.memory_space<vmem>>) semaphore(%run_scoped3A : memref<!tpu.dma_semaphore, #tpu.memory_space<semaphore_mem>>) {add = true}
        %dma_wait3A = arith.constant 0 : i32
        %dma_wait3A_21 = tpu.memref_slice %arg8[%scan3A_15, %dma_wait3A] : memref<80x128xi32, #tpu.memory_space<vmem>> -> memref<1x128xi32, #tpu.memory_space<vmem>>
        %dma_wait3A_22 = tpu.memref_squeeze %dma_wait3A_21 : memref<1x128xi32, #tpu.memory_space<vmem>> -> memref<128xi32, #tpu.memory_space<vmem>>
        %dma_wait3A_23 = arith.constant 0 : i32
        %dma_wait3A_24 = arith.constant 0 : i32
        %dma_wait3A_25 = tpu.memref_slice %arg10[%dma_wait3A_23, %dma_wait3A_24] : memref<10112x128xf32, #tpu.memory_space<vmem_shared>> -> memref<10112x128xf32, #tpu.memory_space<vmem_shared>>
        tpu.wait_indirect_dma semaphore(%run_scoped3A : memref<!tpu.dma_semaphore, #tpu.memory_space<semaphore_mem>>) src(%arg9 : memref<128x128xf32, #tpu.memory_space<vmem>>) dst(%dma_wait3A_25 : memref<10112x128xf32, #tpu.memory_space<vmem_shared>>)
        tpu.yield
      }) : () -> ()
    }
    %scan3A_7 = arith.constant 80 : i32
    %barrier3A_8 = arith.constant 0 : index
    tpu.barrier barrier_id(%barrier3A_8)
    %mul3A_9 = arith.constant 624 : i32
    %mul3A_10 = arith.muli %arg1, %mul3A_9 : i32
    %mul3A_11 = arith.constant 624 : i32
    %mul3A_12 = arith.muli %arg1, %mul3A_11 : i32
    "tpu.region"() ({
      %run_scoped3A = tpu.sem_alloc : memref<!tpu.dma_semaphore, #tpu.memory_space<semaphore_mem>>
      %dma_start3A = arith.constant 0 : i32
      %dma_start3A_15 = tpu.memref_slice %arg6[%arg0, %mul3A_12, %dma_start3A] : memref<2x10000x128xf32, #tpu.memory_space<hbm>> -> memref<1x624x128xf32, #tpu.memory_space<hbm>>
      %dma_start3A_16 = tpu.memref_squeeze %dma_start3A_15 : memref<1x624x128xf32, #tpu.memory_space<hbm>> -> memref<624x128xf32, #tpu.memory_space<hbm>>
      %dma_start3A_17 = arith.constant 0 : i32
      %dma_start3A_18 = tpu.memref_slice %arg10[%mul3A_10, %dma_start3A_17] : memref<10112x128xf32, #tpu.memory_space<vmem_shared>> -> memref<624x128xf32, #tpu.memory_space<vmem_shared>>
      tpu.enqueue_dma source(%dma_start3A_18 : memref<624x128xf32, #tpu.memory_space<vmem_shared>>) target(%dma_start3A_16 : memref<624x128xf32, #tpu.memory_space<hbm>>) target_semaphore(%run_scoped3A : memref<!tpu.dma_semaphore, #tpu.memory_space<semaphore_mem>>)
      %dma_wait3A = arith.constant 0 : i32
      %dma_wait3A_19 = tpu.memref_slice %arg6[%arg0, %mul3A_12, %dma_wait3A] : memref<2x10000x128xf32, #tpu.memory_space<hbm>> -> memref<1x624x128xf32, #tpu.memory_space<hbm>>
      %dma_wait3A_20 = tpu.memref_squeeze %dma_wait3A_19 : memref<1x624x128xf32, #tpu.memory_space<hbm>> -> memref<624x128xf32, #tpu.memory_space<hbm>>
      %dma_wait3A_21 = arith.constant 0 : i32
      %dma_wait3A_22 = tpu.memref_slice %arg10[%mul3A_10, %dma_wait3A_21] : memref<10112x128xf32, #tpu.memory_space<vmem_shared>> -> memref<624x128xf32, #tpu.memory_space<vmem_shared>>
      tpu.wait_dma2 semaphore(%run_scoped3A : memref<!tpu.dma_semaphore, #tpu.memory_space<semaphore_mem>>) src(%dma_wait3A_22 : memref<624x128xf32, #tpu.memory_space<vmem_shared>>) dst(%dma_wait3A_20 : memref<624x128xf32, #tpu.memory_space<hbm>>)
      tpu.yield
    }) : () -> ()
    %eq3A = arith.constant 15 : i32
    %eq3A_13 = arith.cmpi eq, %arg1, %eq3A : i32
    %convert_element_type3A = arith.extui %eq3A_13 : i1 to i32
    %cond3A = arith.constant 0 : i32
    %cond3A_14 = arith.cmpi ne, %convert_element_type3A, %cond3A : i32
    scf.if %cond3A_14 {
      "tpu.region"() ({
        %run_scoped3A = tpu.sem_alloc : memref<!tpu.dma_semaphore, #tpu.memory_space<semaphore_mem>>
        %dma_start3A = arith.constant 9984 : i32
        %dma_start3A_15 = arith.constant 0 : i32
        %dma_start3A_16 = tpu.memref_slice %arg6[%arg0, %dma_start3A, %dma_start3A_15] : memref<2x10000x128xf32, #tpu.memory_space<hbm>> -> memref<1x16x128xf32, #tpu.memory_space<hbm>>
        %dma_start3A_17 = tpu.memref_squeeze %dma_start3A_16 : memref<1x16x128xf32, #tpu.memory_space<hbm>> -> memref<16x128xf32, #tpu.memory_space<hbm>>
        %dma_start3A_18 = arith.constant 9984 : i32
        %dma_start3A_19 = arith.constant 0 : i32
        %dma_start3A_20 = tpu.memref_slice %arg10[%dma_start3A_18, %dma_start3A_19] : memref<10112x128xf32, #tpu.memory_space<vmem_shared>> -> memref<16x128xf32, #tpu.memory_space<vmem_shared>>
        tpu.enqueue_dma source(%dma_start3A_20 : memref<16x128xf32, #tpu.memory_space<vmem_shared>>) target(%dma_start3A_17 : memref<16x128xf32, #tpu.memory_space<hbm>>) target_semaphore(%run_scoped3A : memref<!tpu.dma_semaphore, #tpu.memory_space<semaphore_mem>>)
        %dma_wait3A = arith.constant 9984 : i32
        %dma_wait3A_21 = arith.constant 0 : i32
        %dma_wait3A_22 = tpu.memref_slice %arg6[%arg0, %dma_wait3A, %dma_wait3A_21] : memref<2x10000x128xf32, #tpu.memory_space<hbm>> -> memref<1x16x128xf32, #tpu.memory_space<hbm>>
        %dma_wait3A_23 = tpu.memref_squeeze %dma_wait3A_22 : memref<1x16x128xf32, #tpu.memory_space<hbm>> -> memref<16x128xf32, #tpu.memory_space<hbm>>
        %dma_wait3A_24 = arith.constant 9984 : i32
        %dma_wait3A_25 = arith.constant 0 : i32
        %dma_wait3A_26 = tpu.memref_slice %arg10[%dma_wait3A_24, %dma_wait3A_25] : memref<10112x128xf32, #tpu.memory_space<vmem_shared>> -> memref<16x128xf32, #tpu.memory_space<vmem_shared>>
        tpu.wait_dma2 semaphore(%run_scoped3A : memref<!tpu.dma_semaphore, #tpu.memory_space<semaphore_mem>>) src(%dma_wait3A_26 : memref<16x128xf32, #tpu.memory_space<vmem_shared>>) dst(%dma_wait3A_23 : memref<16x128xf32, #tpu.memory_space<hbm>>)
        tpu.yield
      }) : () -> ()
    } else {
    }
    return
  }
}

#map = affine_map<(d0, d1) -> (0, 0)>
#map1 = affine_map<(d0, d1) -> (0, 0, 0)>
module attributes {stable_mosaic.version = 14 : i64} {
  func.func @_agg_kernel(%arg0: i32, %arg1: i32, %arg2: memref<10000x128xf32, #tpu.memory_space<hbm>>, %arg3: memref<32x80x128xi32, #tpu.memory_space<hbm>>, %arg4: memref<32x80x128xi32, #tpu.memory_space<hbm>>, %arg5: memref<632x128xf32, #tpu.memory_space<hbm>>, %arg6: memref<2x10000x128xf32, #tpu.memory_space<hbm>>, %arg7: memref<80x128xi32, #tpu.memory_space<vmem>>, %arg8: memref<80x128xi32, #tpu.memory_space<vmem>>, %arg9: memref<128x128xf32, #tpu.memory_space<vmem>>, %arg10: memref<10112x128xf32, #tpu.memory_space<vmem_shared>>) attributes {dimension_semantics = [#tpu.dimension_semantics<core_parallel>, #tpu.dimension_semantics<subcore_parallel>], iteration_bounds = array<i64: 2, 16>, scalar_prefetch = 0 : i64, scratch_operands = 4 : i64, tpu.core_type = #tpu.core_type<sc_vector_subcore>, window_params = [{transform_indices = #map}, {transform_indices = #map1}, {transform_indices = #map1}, {transform_indices = #map}, {transform_indices = #map1}]} {
    %mul3A = arith.constant 16 : i32
    %mul3A_0 = arith.muli %arg0, %mul3A : i32
    %add3A = arith.addi %mul3A_0, %arg1 : i32
    %mul3A_1 = arith.constant 632 : i32
    %mul3A_2 = arith.muli %arg1, %mul3A_1 : i32
    "tpu.region"() ({
      %run_scoped3A = tpu.sem_alloc : memref<!tpu.dma_semaphore, #tpu.memory_space<semaphore_mem>>
      %dma_start3A = arith.constant 0 : i32
      %dma_start3A_15 = tpu.memref_slice %arg10[%mul3A_2, %dma_start3A] : memref<10112x128xf32, #tpu.memory_space<vmem_shared>> -> memref<632x128xf32, #tpu.memory_space<vmem_shared>>
      tpu.enqueue_dma source(%arg5 : memref<632x128xf32, #tpu.memory_space<hbm>>) target(%dma_start3A_15 : memref<632x128xf32, #tpu.memory_space<vmem_shared>>) target_semaphore(%run_scoped3A : memref<!tpu.dma_semaphore, #tpu.memory_space<semaphore_mem>>)
      %dma_wait3A = arith.constant 0 : i32
      %dma_wait3A_16 = tpu.memref_slice %arg10[%mul3A_2, %dma_wait3A] : memref<10112x128xf32, #tpu.memory_space<vmem_shared>> -> memref<632x128xf32, #tpu.memory_space<vmem_shared>>
      tpu.wait_dma2 semaphore(%run_scoped3A : memref<!tpu.dma_semaphore, #tpu.memory_space<semaphore_mem>>) src(%arg5 : memref<632x128xf32, #tpu.memory_space<hbm>>) dst(%dma_wait3A_16 : memref<632x128xf32, #tpu.memory_space<vmem_shared>>)
      tpu.yield
    }) : () -> ()
    "tpu.region"() ({
      %run_scoped3A = tpu.sem_alloc : memref<!tpu.dma_semaphore, #tpu.memory_space<semaphore_mem>>
      %dma_start3A = arith.constant 0 : i32
      %dma_start3A_15 = arith.constant 0 : i32
      %dma_start3A_16 = tpu.memref_slice %arg3[%add3A, %dma_start3A, %dma_start3A_15] : memref<32x80x128xi32, #tpu.memory_space<hbm>> -> memref<1x80x128xi32, #tpu.memory_space<hbm>>
      %dma_start3A_17 = tpu.memref_squeeze %dma_start3A_16 : memref<1x80x128xi32, #tpu.memory_space<hbm>> -> memref<80x128xi32, #tpu.memory_space<hbm>>
      %dma_start3A_18 = arith.constant 0 : i32
      %dma_start3A_19 = arith.constant 0 : i32
      %dma_start3A_20 = tpu.memref_slice %arg3[%add3A, %dma_start3A_18, %dma_start3A_19] : memref<32x80x128xi32, #tpu.memory_space<hbm>> -> memref<1x80x128xi32, #tpu.memory_space<hbm>>
      %dma_start3A_21 = tpu.memref_squeeze %dma_start3A_20 : memref<1x80x128xi32, #tpu.memory_space<hbm>> -> memref<80x128xi32, #tpu.memory_space<hbm>>
      tpu.enqueue_dma source(%dma_start3A_21 : memref<80x128xi32, #tpu.memory_space<hbm>>) target(%arg7 : memref<80x128xi32, #tpu.memory_space<vmem>>) target_semaphore(%run_scoped3A : memref<!tpu.dma_semaphore, #tpu.memory_space<semaphore_mem>>)
      %dma_wait3A = arith.constant 0 : i32
      %dma_wait3A_22 = arith.constant 0 : i32
      %dma_wait3A_23 = tpu.memref_slice %arg3[%add3A, %dma_wait3A, %dma_wait3A_22] : memref<32x80x128xi32, #tpu.memory_space<hbm>> -> memref<1x80x128xi32, #tpu.memory_space<hbm>>
      %dma_wait3A_24 = tpu.memref_squeeze %dma_wait3A_23 : memref<1x80x128xi32, #tpu.memory_space<hbm>> -> memref<80x128xi32, #tpu.memory_space<hbm>>
      %dma_wait3A_25 = arith.constant 0 : i32
      %dma_wait3A_26 = arith.constant 0 : i32
      %dma_wait3A_27 = tpu.memref_slice %arg3[%add3A, %dma_wait3A_25, %dma_wait3A_26] : memref<32x80x128xi32, #tpu.memory_space<hbm>> -> memref<1x80x128xi32, #tpu.memory_space<hbm>>
      %dma_wait3A_28 = tpu.memref_squeeze %dma_wait3A_27 : memref<1x80x128xi32, #tpu.memory_space<hbm>> -> memref<80x128xi32, #tpu.memory_space<hbm>>
      tpu.wait_dma2 semaphore(%run_scoped3A : memref<!tpu.dma_semaphore, #tpu.memory_space<semaphore_mem>>) src(%dma_wait3A_28 : memref<80x128xi32, #tpu.memory_space<hbm>>) dst(%arg7 : memref<80x128xi32, #tpu.memory_space<vmem>>)
      tpu.yield
    }) : () -> ()
    "tpu.region"() ({
      %run_scoped3A = tpu.sem_alloc : memref<!tpu.dma_semaphore, #tpu.memory_space<semaphore_mem>>
      %dma_start3A = arith.constant 0 : i32
      %dma_start3A_15 = arith.constant 0 : i32
      %dma_start3A_16 = tpu.memref_slice %arg4[%add3A, %dma_start3A, %dma_start3A_15] : memref<32x80x128xi32, #tpu.memory_space<hbm>> -> memref<1x80x128xi32, #tpu.memory_space<hbm>>
      %dma_start3A_17 = tpu.memref_squeeze %dma_start3A_16 : memref<1x80x128xi32, #tpu.memory_space<hbm>> -> memref<80x128xi32, #tpu.memory_space<hbm>>
      %dma_start3A_18 = arith.constant 0 : i32
      %dma_start3A_19 = arith.constant 0 : i32
      %dma_start3A_20 = tpu.memref_slice %arg4[%add3A, %dma_start3A_18, %dma_start3A_19] : memref<32x80x128xi32, #tpu.memory_space<hbm>> -> memref<1x80x128xi32, #tpu.memory_space<hbm>>
      %dma_start3A_21 = tpu.memref_squeeze %dma_start3A_20 : memref<1x80x128xi32, #tpu.memory_space<hbm>> -> memref<80x128xi32, #tpu.memory_space<hbm>>
      tpu.enqueue_dma source(%dma_start3A_21 : memref<80x128xi32, #tpu.memory_space<hbm>>) target(%arg8 : memref<80x128xi32, #tpu.memory_space<vmem>>) target_semaphore(%run_scoped3A : memref<!tpu.dma_semaphore, #tpu.memory_space<semaphore_mem>>)
      %dma_wait3A = arith.constant 0 : i32
      %dma_wait3A_22 = arith.constant 0 : i32
      %dma_wait3A_23 = tpu.memref_slice %arg4[%add3A, %dma_wait3A, %dma_wait3A_22] : memref<32x80x128xi32, #tpu.memory_space<hbm>> -> memref<1x80x128xi32, #tpu.memory_space<hbm>>
      %dma_wait3A_24 = tpu.memref_squeeze %dma_wait3A_23 : memref<1x80x128xi32, #tpu.memory_space<hbm>> -> memref<80x128xi32, #tpu.memory_space<hbm>>
      %dma_wait3A_25 = arith.constant 0 : i32
      %dma_wait3A_26 = arith.constant 0 : i32
      %dma_wait3A_27 = tpu.memref_slice %arg4[%add3A, %dma_wait3A_25, %dma_wait3A_26] : memref<32x80x128xi32, #tpu.memory_space<hbm>> -> memref<1x80x128xi32, #tpu.memory_space<hbm>>
      %dma_wait3A_28 = tpu.memref_squeeze %dma_wait3A_27 : memref<1x80x128xi32, #tpu.memory_space<hbm>> -> memref<80x128xi32, #tpu.memory_space<hbm>>
      tpu.wait_dma2 semaphore(%run_scoped3A : memref<!tpu.dma_semaphore, #tpu.memory_space<semaphore_mem>>) src(%dma_wait3A_28 : memref<80x128xi32, #tpu.memory_space<hbm>>) dst(%arg8 : memref<80x128xi32, #tpu.memory_space<vmem>>)
      tpu.yield
    }) : () -> ()
    %barrier3A = arith.constant 0 : index
    tpu.barrier barrier_id(%barrier3A)
    %scan3A = arith.constant 0 : i32
    %scan3A_3 = arith.constant 0 : i32
    %scan3A_4 = arith.constant 80 : i32
    %scan3A_5 = arith.addi %scan3A_3, %scan3A_4 : i32
    %scan3A_6 = arith.constant 1 : i32
    scf.for %scan3A_15 = %scan3A_3 to %scan3A_5 step %scan3A_6  : i32 {
      "tpu.region"() ({
        %run_scoped3A = tpu.sem_alloc : memref<!tpu.dma_semaphore, #tpu.memory_space<semaphore_mem>>
        %dma_start3A = arith.constant 0 : i32
        %dma_start3A_16 = tpu.memref_slice %arg7[%scan3A_15, %dma_start3A] : memref<80x128xi32, #tpu.memory_space<vmem>> -> memref<1x128xi32, #tpu.memory_space<vmem>>
        %dma_start3A_17 = tpu.memref_squeeze %dma_start3A_16 : memref<1x128xi32, #tpu.memory_space<vmem>> -> memref<128xi32, #tpu.memory_space<vmem>>
        %dma_start3A_18 = arith.constant 0 : i32
        %dma_start3A_19 = arith.constant 0 : i32
        %dma_start3A_20 = tpu.memref_slice %arg2[%dma_start3A_18, %dma_start3A_19] : memref<10000x128xf32, #tpu.memory_space<hbm>> -> memref<10000x128xf32, #tpu.memory_space<hbm>>
        tpu.enqueue_indirect_dma source(%dma_start3A_20 : memref<10000x128xf32, #tpu.memory_space<hbm>>) target(%arg9 : memref<128x128xf32, #tpu.memory_space<vmem>>) offsets(%dma_start3A_17 : memref<128xi32, #tpu.memory_space<vmem>>) semaphore(%run_scoped3A : memref<!tpu.dma_semaphore, #tpu.memory_space<semaphore_mem>>)
        %dma_wait3A = arith.constant 0 : i32
        %dma_wait3A_21 = tpu.memref_slice %arg7[%scan3A_15, %dma_wait3A] : memref<80x128xi32, #tpu.memory_space<vmem>> -> memref<1x128xi32, #tpu.memory_space<vmem>>
        %dma_wait3A_22 = tpu.memref_squeeze %dma_wait3A_21 : memref<1x128xi32, #tpu.memory_space<vmem>> -> memref<128xi32, #tpu.memory_space<vmem>>
        %dma_wait3A_23 = arith.constant 0 : i32
        %dma_wait3A_24 = arith.constant 0 : i32
        %dma_wait3A_25 = tpu.memref_slice %arg2[%dma_wait3A_23, %dma_wait3A_24] : memref<10000x128xf32, #tpu.memory_space<hbm>> -> memref<10000x128xf32, #tpu.memory_space<hbm>>
        tpu.wait_indirect_dma semaphore(%run_scoped3A : memref<!tpu.dma_semaphore, #tpu.memory_space<semaphore_mem>>) src(%dma_wait3A_25 : memref<10000x128xf32, #tpu.memory_space<hbm>>) dst(%arg9 : memref<128x128xf32, #tpu.memory_space<vmem>>)
        tpu.yield
      }) : () -> ()
      "tpu.region"() ({
        %run_scoped3A = tpu.sem_alloc : memref<!tpu.dma_semaphore, #tpu.memory_space<semaphore_mem>>
        %dma_start3A = arith.constant 0 : i32
        %dma_start3A_16 = tpu.memref_slice %arg8[%scan3A_15, %dma_start3A] : memref<80x128xi32, #tpu.memory_space<vmem>> -> memref<1x128xi32, #tpu.memory_space<vmem>>
        %dma_start3A_17 = tpu.memref_squeeze %dma_start3A_16 : memref<1x128xi32, #tpu.memory_space<vmem>> -> memref<128xi32, #tpu.memory_space<vmem>>
        %dma_start3A_18 = arith.constant 0 : i32
        %dma_start3A_19 = arith.constant 0 : i32
        %dma_start3A_20 = tpu.memref_slice %arg10[%dma_start3A_18, %dma_start3A_19] : memref<10112x128xf32, #tpu.memory_space<vmem_shared>> -> memref<10112x128xf32, #tpu.memory_space<vmem_shared>>
        tpu.enqueue_indirect_dma source(%arg9 : memref<128x128xf32, #tpu.memory_space<vmem>>) target(%dma_start3A_20 : memref<10112x128xf32, #tpu.memory_space<vmem_shared>>) offsets(%dma_start3A_17 : memref<128xi32, #tpu.memory_space<vmem>>) semaphore(%run_scoped3A : memref<!tpu.dma_semaphore, #tpu.memory_space<semaphore_mem>>) {add = true}
        %dma_wait3A = arith.constant 0 : i32
        %dma_wait3A_21 = tpu.memref_slice %arg8[%scan3A_15, %dma_wait3A] : memref<80x128xi32, #tpu.memory_space<vmem>> -> memref<1x128xi32, #tpu.memory_space<vmem>>
        %dma_wait3A_22 = tpu.memref_squeeze %dma_wait3A_21 : memref<1x128xi32, #tpu.memory_space<vmem>> -> memref<128xi32, #tpu.memory_space<vmem>>
        %dma_wait3A_23 = arith.constant 0 : i32
        %dma_wait3A_24 = arith.constant 0 : i32
        %dma_wait3A_25 = tpu.memref_slice %arg10[%dma_wait3A_23, %dma_wait3A_24] : memref<10112x128xf32, #tpu.memory_space<vmem_shared>> -> memref<10112x128xf32, #tpu.memory_space<vmem_shared>>
        tpu.wait_indirect_dma semaphore(%run_scoped3A : memref<!tpu.dma_semaphore, #tpu.memory_space<semaphore_mem>>) src(%arg9 : memref<128x128xf32, #tpu.memory_space<vmem>>) dst(%dma_wait3A_25 : memref<10112x128xf32, #tpu.memory_space<vmem_shared>>)
        tpu.yield
      }) : () -> ()
    }
    %scan3A_7 = arith.constant 80 : i32
    %barrier3A_8 = arith.constant 0 : index
    tpu.barrier barrier_id(%barrier3A_8)
    %mul3A_9 = arith.constant 624 : i32
    %mul3A_10 = arith.muli %arg1, %mul3A_9 : i32
    %mul3A_11 = arith.constant 624 : i32
    %mul3A_12 = arith.muli %arg1, %mul3A_11 : i32
    "tpu.region"() ({
      %run_scoped3A = tpu.sem_alloc : memref<!tpu.dma_semaphore, #tpu.memory_space<semaphore_mem>>
      %dma_start3A = arith.constant 0 : i32
      %dma_start3A_15 = tpu.memref_slice %arg6[%arg0, %mul3A_12, %dma_start3A] : memref<2x10000x128xf32, #tpu.memory_space<hbm>> -> memref<1x624x128xf32, #tpu.memory_space<hbm>>
      %dma_start3A_16 = tpu.memref_squeeze %dma_start3A_15 : memref<1x624x128xf32, #tpu.memory_space<hbm>> -> memref<624x128xf32, #tpu.memory_space<hbm>>
      %dma_start3A_17 = arith.constant 0 : i32
      %dma_start3A_18 = tpu.memref_slice %arg10[%mul3A_10, %dma_start3A_17] : memref<10112x128xf32, #tpu.memory_space<vmem_shared>> -> memref<624x128xf32, #tpu.memory_space<vmem_shared>>
      tpu.enqueue_dma source(%dma_start3A_18 : memref<624x128xf32, #tpu.memory_space<vmem_shared>>) target(%dma_start3A_16 : memref<624x128xf32, #tpu.memory_space<hbm>>) target_semaphore(%run_scoped3A : memref<!tpu.dma_semaphore, #tpu.memory_space<semaphore_mem>>)
      %dma_wait3A = arith.constant 0 : i32
      %dma_wait3A_19 = tpu.memref_slice %arg6[%arg0, %mul3A_12, %dma_wait3A] : memref<2x10000x128xf32, #tpu.memory_space<hbm>> -> memref<1x624x128xf32, #tpu.memory_space<hbm>>
      %dma_wait3A_20 = tpu.memref_squeeze %dma_wait3A_19 : memref<1x624x128xf32, #tpu.memory_space<hbm>> -> memref<624x128xf32, #tpu.memory_space<hbm>>
      %dma_wait3A_21 = arith.constant 0 : i32
      %dma_wait3A_22 = tpu.memref_slice %arg10[%mul3A_10, %dma_wait3A_21] : memref<10112x128xf32, #tpu.memory_space<vmem_shared>> -> memref<624x128xf32, #tpu.memory_space<vmem_shared>>
      tpu.wait_dma2 semaphore(%run_scoped3A : memref<!tpu.dma_semaphore, #tpu.memory_space<semaphore_mem>>) src(%dma_wait3A_22 : memref<624x128xf32, #tpu.memory_space<vmem_shared>>) dst(%dma_wait3A_20 : memref<624x128xf32, #tpu.memory_space<hbm>>)
      tpu.yield
    }) : () -> ()
    %eq3A = arith.constant 15 : i32
    %eq3A_13 = arith.cmpi eq, %arg1, %eq3A : i32
    %convert_element_type3A = arith.extui %eq3A_13 : i1 to i32
    %cond3A = arith.constant 0 : i32
    %cond3A_14 = arith.cmpi ne, %convert_element_type3A, %cond3A : i32
    scf.if %cond3A_14 {
      "tpu.region"() ({
        %run_scoped3A = tpu.sem_alloc : memref<!tpu.dma_semaphore, #tpu.memory_space<semaphore_mem>>
        %dma_start3A = arith.constant 9984 : i32
        %dma_start3A_15 = arith.constant 0 : i32
        %dma_start3A_16 = tpu.memref_slice %arg6[%arg0, %dma_start3A, %dma_start3A_15] : memref<2x10000x128xf32, #tpu.memory_space<hbm>> -> memref<1x16x128xf32, #tpu.memory_space<hbm>>
        %dma_start3A_17 = tpu.memref_squeeze %dma_start3A_16 : memref<1x16x128xf32, #tpu.memory_space<hbm>> -> memref<16x128xf32, #tpu.memory_space<hbm>>
        %dma_start3A_18 = arith.constant 9984 : i32
        %dma_start3A_19 = arith.constant 0 : i32
        %dma_start3A_20 = tpu.memref_slice %arg10[%dma_start3A_18, %dma_start3A_19] : memref<10112x128xf32, #tpu.memory_space<vmem_shared>> -> memref<16x128xf32, #tpu.memory_space<vmem_shared>>
        tpu.enqueue_dma source(%dma_start3A_20 : memref<16x128xf32, #tpu.memory_space<vmem_shared>>) target(%dma_start3A_17 : memref<16x128xf32, #tpu.memory_space<hbm>>) target_semaphore(%run_scoped3A : memref<!tpu.dma_semaphore, #tpu.memory_space<semaphore_mem>>)
        %dma_wait3A = arith.constant 9984 : i32
        %dma_wait3A_21 = arith.constant 0 : i32
        %dma_wait3A_22 = tpu.memref_slice %arg6[%arg0, %dma_wait3A, %dma_wait3A_21] : memref<2x10000x128xf32, #tpu.memory_space<hbm>> -> memref<1x16x128xf32, #tpu.memory_space<hbm>>
        %dma_wait3A_23 = tpu.memref_squeeze %dma_wait3A_22 : memref<1x16x128xf32, #tpu.memory_space<hbm>> -> memref<16x128xf32, #tpu.memory_space<hbm>>
        %dma_wait3A_24 = arith.constant 9984 : i32
        %dma_wait3A_25 = arith.constant 0 : i32
        %dma_wait3A_26 = tpu.memref_slice %arg10[%dma_wait3A_24, %dma_wait3A_25] : memref<10112x128xf32, #tpu.memory_space<vmem_shared>> -> memref<16x128xf32, #tpu.memory_space<vmem_shared>>
        tpu.wait_dma2 semaphore(%run_scoped3A : memref<!tpu.dma_semaphore, #tpu.memory_space<semaphore_mem>>) src(%dma_wait3A_26 : memref<16x128xf32, #tpu.memory_space<vmem_shared>>) dst(%dma_wait3A_23 : memref<16x128xf32, #tpu.memory_space<hbm>>)
        tpu.yield
      }) : () -> ()
    } else {
    }
    return
  }
}

module attributes {stable_mosaic.version = 14 : i64} {
  func.func @_tc_scale_body(%arg0: i32, %arg1: memref<2000x128xf32, #tpu.memory_space<vmem>>, %arg2: memref<128x128xf32, #tpu.memory_space<vmem>>, %arg3: memref<2x2000x128xf32, #tpu.memory_space<vmem>>, %arg4: memref<2000x128xf32, #tpu.memory_space<vmem>>) attributes {dimension_semantics = [#tpu.dimension_semantics<arbitrary>], iteration_bounds = array<i64: 5>, scalar_prefetch = 0 : i64, scratch_operands = 0 : i64, tpu.core_type = #tpu.core_type<tc>, window_params = [{transform_indices = @transform_0, window_bounds = array<i64: 2000, 128>}, {pipeline_mode = #tpu.pipeline_mode<synchronous>, transform_indices = @transform_1, window_bounds = array<i64: 128, 128>}, {transform_indices = @transform_2, window_bounds = array<i64: 2, 2000, 128>}, {transform_indices = @transform_3, window_bounds = array<i64: 2000, 128>}]} {
    %get3A = arith.constant 0 : index
    %get3A_0 = arith.constant 0 : index
    %get3A_1 = arith.constant 0 : index
    %get3A_2 = vector.load %arg3[%get3A, %get3A_0, %get3A_1] : memref<2x2000x128xf32, #tpu.memory_space<vmem>>, vector<2x2000x128xf32>
    %slice3A = vector.extract_strided_slice %get3A_2 {offsets = [0, 0, 0], sizes = [1, 2000, 1], strides = [1, 1, 1]} : vector<2x2000x128xf32> to vector<1x2000x1xf32>
    %squeeze3A = vector.shape_cast %slice3A : vector<1x2000x1xf32> to vector<2000x1xf32>
    %slice3A_3 = vector.extract_strided_slice %get3A_2 {offsets = [1, 0, 0], sizes = [1, 2000, 1], strides = [1, 1, 1]} : vector<2x2000x128xf32> to vector<1x2000x1xf32>
    %squeeze3A_4 = vector.shape_cast %slice3A_3 : vector<1x2000x1xf32> to vector<2000x1xf32>
    %add3A = arith.addf %squeeze3A, %squeeze3A_4 : vector<2000x1xf32>
    %add3A_5 = arith.constant 1.000000e+00 : f32
    %add3A_6 = vector.broadcast %add3A_5 : f32 to vector<2000x1xf32>
    %add3A_7 = arith.addf %add3A, %add3A_6 : vector<2000x1xf32>
    %rsqrt3A = math.rsqrt %add3A_7 : vector<2000x1xf32>
    %get3A_8 = arith.constant 0 : index
    %get3A_9 = arith.constant 0 : index
    %get3A_10 = vector.load %arg1[%get3A_8, %get3A_9] : memref<2000x128xf32, #tpu.memory_space<vmem>>, vector<2000x128xf32>
    %get3A_11 = arith.constant 0 : index
    %get3A_12 = arith.constant 0 : index
    %get3A_13 = vector.load %arg2[%get3A_11, %get3A_12] : memref<128x128xf32, #tpu.memory_space<vmem>>, vector<128x128xf32>
    %dot_general3A = arith.constant dense<0.000000e+00> : vector<2000x128xf32>
    %dot_general3A_14 = tpu.matmul %get3A_10, %get3A_13, %dot_general3A {dimension_numbers = #tpu.dot_dimension_numbers<[1], [0], [0], [1], [0, 0, 1, 1], [], []>, transpose_lhs_hint = false} : vector<2000x128xf32>, vector<128x128xf32>, vector<2000x128xf32> -> vector<2000x128xf32>
    %mul3A = vector.broadcast %rsqrt3A : vector<2000x1xf32> to vector<2000x128xf32>
    %mul3A_15 = arith.mulf %dot_general3A_14, %mul3A : vector<2000x128xf32>
    %swap3A = arith.constant 0 : index
    %swap3A_16 = arith.constant 0 : index
    %swap3A_17 = vector.load %arg4[%swap3A, %swap3A_16] : memref<2000x128xf32, #tpu.memory_space<vmem>>, vector<2000x128xf32>
    tpu.vector_store %arg4[%swap3A, %swap3A_16], %mul3A_15 {strides = array<i32>} : memref<2000x128xf32, #tpu.memory_space<vmem>>, vector<2000x128xf32>,
    return
  }
  func.func @transform_0(%arg0: i32) -> (i32, i32) {
    %c0_i32 = arith.constant 0 : i32
    %c0_i32_0 = arith.constant 0 : i32
    return %arg0, %c0_i32 : i32, i32
  }
  func.func @transform_1(%arg0: i32) -> (i32, i32) {
    %c0_i32 = arith.constant 0 : i32
    %c0_i32_0 = arith.constant 0 : i32
    %c0_i32_1 = arith.constant 0 : i32
    return %c0_i32, %c0_i32_0 : i32, i32
  }
  func.func @transform_2(%arg0: i32) -> (i32, i32, i32) {
    %c0_i32 = arith.constant 0 : i32
    %c0_i32_0 = arith.constant 0 : i32
    %c0_i32_1 = arith.constant 0 : i32
    return %c0_i32, %arg0, %c0_i32_0 : i32, i32, i32
  }
  func.func @transform_3(%arg0: i32) -> (i32, i32) {
    %c0_i32 = arith.constant 0 : i32
    %c0_i32_0 = arith.constant 0 : i32
    return %arg0, %c0_i32 : i32, i32
  }
}

module attributes {stable_mosaic.version = 14 : i64} {
  func.func @_tc_mid_body(%arg0: i32, %arg1: memref<2x2000x128xf32, #tpu.memory_space<vmem>>, %arg2: memref<2000x128xf32, #tpu.memory_space<vmem>>, %arg3: memref<2x2000x128xf32, #tpu.memory_space<vmem>>, %arg4: memref<1x128xf32, #tpu.memory_space<vmem>>, %arg5: memref<128x128xf32, #tpu.memory_space<vmem>>, %arg6: memref<2000x128xf32, #tpu.memory_space<vmem>>) attributes {dimension_semantics = [#tpu.dimension_semantics<arbitrary>], iteration_bounds = array<i64: 5>, scalar_prefetch = 0 : i64, scratch_operands = 0 : i64, tpu.core_type = #tpu.core_type<tc>, window_params = [{transform_indices = @transform_0, window_bounds = array<i64: 2, 2000, 128>}, {transform_indices = @transform_1, window_bounds = array<i64: 2000, 128>}, {transform_indices = @transform_2, window_bounds = array<i64: 2, 2000, 128>}, {pipeline_mode = #tpu.pipeline_mode<synchronous>, transform_indices = @transform_3, window_bounds = array<i64: 1, 128>}, {pipeline_mode = #tpu.pipeline_mode<synchronous>, transform_indices = @transform_4, window_bounds = array<i64: 128, 128>}, {transform_indices = @transform_5, window_bounds = array<i64: 2000, 128>}]} {
    %get3A = arith.constant 0 : index
    %get3A_0 = arith.constant 0 : index
    %get3A_1 = arith.constant 0 : index
    %get3A_2 = vector.load %arg3[%get3A, %get3A_0, %get3A_1] : memref<2x2000x128xf32, #tpu.memory_space<vmem>>, vector<2x2000x128xf32>
    %slice3A = vector.extract_strided_slice %get3A_2 {offsets = [0, 0, 0], sizes = [1, 2000, 1], strides = [1, 1, 1]} : vector<2x2000x128xf32> to vector<1x2000x1xf32>
    %squeeze3A = vector.shape_cast %slice3A : vector<1x2000x1xf32> to vector<2000x1xf32>
    %slice3A_3 = vector.extract_strided_slice %get3A_2 {offsets = [1, 0, 0], sizes = [1, 2000, 1], strides = [1, 1, 1]} : vector<2x2000x128xf32> to vector<1x2000x1xf32>
    %squeeze3A_4 = vector.shape_cast %slice3A_3 : vector<1x2000x1xf32> to vector<2000x1xf32>
    %add3A = arith.addf %squeeze3A, %squeeze3A_4 : vector<2000x1xf32>
    %add3A_5 = arith.constant 1.000000e+00 : f32
    %add3A_6 = vector.broadcast %add3A_5 : f32 to vector<2000x1xf32>
    %add3A_7 = arith.addf %add3A, %add3A_6 : vector<2000x1xf32>
    %rsqrt3A = math.rsqrt %add3A_7 : vector<2000x1xf32>
    %get3A_8 = arith.constant 0 : index
    %get3A_9 = arith.constant 0 : index
    %get3A_10 = arith.constant 0 : index
    %get3A_11 = vector.load %arg1[%get3A_8, %get3A_9, %get3A_10] : memref<2x2000x128xf32, #tpu.memory_space<vmem>>, vector<1x2000x128xf32>
    %get3A_12 = vector.shape_cast %get3A_11 : vector<1x2000x128xf32> to vector<2000x128xf32>
    %get3A_13 = arith.constant 1 : index
    %get3A_14 = arith.constant 0 : index
    %get3A_15 = arith.constant 0 : index
    %get3A_16 = vector.load %arg1[%get3A_13, %get3A_14, %get3A_15] : memref<2x2000x128xf32, #tpu.memory_space<vmem>>, vector<1x2000x128xf32>
    %get3A_17 = vector.shape_cast %get3A_16 : vector<1x2000x128xf32> to vector<2000x128xf32>
    %add3A_18 = arith.addf %get3A_12, %get3A_17 : vector<2000x128xf32>
    %get3A_19 = arith.constant 0 : index
    %get3A_20 = arith.constant 0 : index
    %get3A_21 = vector.load %arg2[%get3A_19, %get3A_20] : memref<2000x128xf32, #tpu.memory_space<vmem>>, vector<2000x128xf32>
    %add3A_22 = arith.addf %add3A_18, %get3A_21 : vector<2000x128xf32>
    %mul3A = vector.broadcast %rsqrt3A : vector<2000x1xf32> to vector<2000x128xf32>
    %mul3A_23 = arith.mulf %add3A_22, %mul3A : vector<2000x128xf32>
    %get3A_24 = arith.constant 0 : index
    %get3A_25 = arith.constant 0 : index
    %get3A_26 = vector.load %arg4[%get3A_24, %get3A_25] : memref<1x128xf32, #tpu.memory_space<vmem>>, vector<1x128xf32>
    %add3A_27 = vector.broadcast %get3A_26 : vector<1x128xf32> to vector<2000x128xf32>
    %add3A_28 = arith.addf %mul3A_23, %add3A_27 : vector<2000x128xf32>
    %max3A = arith.constant 0.000000e+00 : f32
    %max3A_29 = vector.broadcast %max3A : f32 to vector<2000x128xf32>
    %max3A_30 = arith.maximumf %add3A_28, %max3A_29 : vector<2000x128xf32>
    %get3A_31 = arith.constant 0 : index
    %get3A_32 = arith.constant 0 : index
    %get3A_33 = vector.load %arg5[%get3A_31, %get3A_32] : memref<128x128xf32, #tpu.memory_space<vmem>>, vector<128x128xf32>
    %dot_general3A = arith.constant dense<0.000000e+00> : vector<2000x128xf32>
    %dot_general3A_34 = tpu.matmul %max3A_30, %get3A_33, %dot_general3A {dimension_numbers = #tpu.dot_dimension_numbers<[1], [0], [0], [1], [0, 0, 1, 1], [], []>, transpose_lhs_hint = false} : vector<2000x128xf32>, vector<128x128xf32>, vector<2000x128xf32> -> vector<2000x128xf32>
    %mul3A_35 = vector.broadcast %rsqrt3A : vector<2000x1xf32> to vector<2000x128xf32>
    %mul3A_36 = arith.mulf %dot_general3A_34, %mul3A_35 : vector<2000x128xf32>
    %swap3A = arith.constant 0 : index
    %swap3A_37 = arith.constant 0 : index
    %swap3A_38 = vector.load %arg6[%swap3A, %swap3A_37] : memref<2000x128xf32, #tpu.memory_space<vmem>>, vector<2000x128xf32>
    tpu.vector_store %arg6[%swap3A, %swap3A_37], %mul3A_36 {strides = array<i32>} : memref<2000x128xf32, #tpu.memory_space<vmem>>, vector<2000x128xf32>,
    return
  }
  func.func @transform_0(%arg0: i32) -> (i32, i32, i32) {
    %c0_i32 = arith.constant 0 : i32
    %c0_i32_0 = arith.constant 0 : i32
    %c0_i32_1 = arith.constant 0 : i32
    return %c0_i32, %arg0, %c0_i32_0 : i32, i32, i32
  }
  func.func @transform_1(%arg0: i32) -> (i32, i32) {
    %c0_i32 = arith.constant 0 : i32
    %c0_i32_0 = arith.constant 0 : i32
    return %arg0, %c0_i32 : i32, i32
  }
  func.func @transform_2(%arg0: i32) -> (i32, i32, i32) {
    %c0_i32 = arith.constant 0 : i32
    %c0_i32_0 = arith.constant 0 : i32
    %c0_i32_1 = arith.constant 0 : i32
    return %c0_i32, %arg0, %c0_i32_0 : i32, i32, i32
  }
  func.func @transform_3(%arg0: i32) -> (i32, i32) {
    %c0_i32 = arith.constant 0 : i32
    %c0_i32_0 = arith.constant 0 : i32
    %c0_i32_1 = arith.constant 0 : i32
    return %c0_i32, %c0_i32_0 : i32, i32
  }
  func.func @transform_4(%arg0: i32) -> (i32, i32) {
    %c0_i32 = arith.constant 0 : i32
    %c0_i32_0 = arith.constant 0 : i32
    %c0_i32_1 = arith.constant 0 : i32
    return %c0_i32, %c0_i32_0 : i32, i32
  }
  func.func @transform_5(%arg0: i32) -> (i32, i32) {
    %c0_i32 = arith.constant 0 : i32
    %c0_i32_0 = arith.constant 0 : i32
    return %arg0, %c0_i32 : i32, i32
  }
}

module attributes {stable_mosaic.version = 14 : i64} {
  func.func @_tc_pool_body(%arg0: i32, %arg1: memref<2x2000x128xf32, #tpu.memory_space<vmem>>, %arg2: memref<2000x128xf32, #tpu.memory_space<vmem>>, %arg3: memref<2x2000x128xf32, #tpu.memory_space<vmem>>, %arg4: memref<1x128xf32, #tpu.memory_space<vmem>>, %arg5: memref<2000x1xi32, #tpu.memory_space<vmem>>, %arg6: memref<128x64xf32, #tpu.memory_space<vmem>>, %arg7: memref<1x64xf32, #tpu.memory_space<vmem>>, %arg8: memref<16x64xf32, #tpu.memory_space<vmem>>, %arg9: memref<16x128xf32, #tpu.memory_space<vmem>>, %arg10: memref<16x128xf32, #tpu.memory_space<vmem>>) attributes {dimension_semantics = [#tpu.dimension_semantics<arbitrary>], iteration_bounds = array<i64: 5>, scalar_prefetch = 0 : i64, scratch_operands = 2 : i64, tpu.core_type = #tpu.core_type<tc>, window_params = [{transform_indices = @transform_0, window_bounds = array<i64: 2, 2000, 128>}, {transform_indices = @transform_1, window_bounds = array<i64: 2000, 128>}, {transform_indices = @transform_2, window_bounds = array<i64: 2, 2000, 128>}, {pipeline_mode = #tpu.pipeline_mode<synchronous>, transform_indices = @transform_3, window_bounds = array<i64: 1, 128>}, {transform_indices = @transform_4, window_bounds = array<i64: 2000, 1>}, {pipeline_mode = #tpu.pipeline_mode<synchronous>, transform_indices = @transform_5, window_bounds = array<i64: 128, 64>}, {pipeline_mode = #tpu.pipeline_mode<synchronous>, transform_indices = @transform_6, window_bounds = array<i64: 1, 64>}, {pipeline_mode = #tpu.pipeline_mode<synchronous>, transform_indices = @transform_7, window_bounds = array<i64: 16, 64>}]} {
    %get3A = arith.constant 0 : index
    %get3A_0 = arith.constant 0 : index
    %get3A_1 = arith.constant 0 : index
    %get3A_2 = vector.load %arg3[%get3A, %get3A_0, %get3A_1] : memref<2x2000x128xf32, #tpu.memory_space<vmem>>, vector<2x2000x128xf32>
    %slice3A = vector.extract_strided_slice %get3A_2 {offsets = [0, 0, 0], sizes = [1, 2000, 1], strides = [1, 1, 1]} : vector<2x2000x128xf32> to vector<1x2000x1xf32>
    %squeeze3A = vector.shape_cast %slice3A : vector<1x2000x1xf32> to vector<2000x1xf32>
    %slice3A_3 = vector.extract_strided_slice %get3A_2 {offsets = [1, 0, 0], sizes = [1, 2000, 1], strides = [1, 1, 1]} : vector<2x2000x128xf32> to vector<1x2000x1xf32>
    %squeeze3A_4 = vector.shape_cast %slice3A_3 : vector<1x2000x1xf32> to vector<2000x1xf32>
    %add3A = arith.addf %squeeze3A, %squeeze3A_4 : vector<2000x1xf32>
    %add3A_5 = arith.constant 1.000000e+00 : f32
    %add3A_6 = vector.broadcast %add3A_5 : f32 to vector<2000x1xf32>
    %add3A_7 = arith.addf %add3A, %add3A_6 : vector<2000x1xf32>
    %rsqrt3A = math.rsqrt %add3A_7 : vector<2000x1xf32>
    %get3A_8 = arith.constant 0 : index
    %get3A_9 = arith.constant 0 : index
    %get3A_10 = arith.constant 0 : index
    %get3A_11 = vector.load %arg1[%get3A_8, %get3A_9, %get3A_10] : memref<2x2000x128xf32, #tpu.memory_space<vmem>>, vector<1x2000x128xf32>
    %get3A_12 = vector.shape_cast %get3A_11 : vector<1x2000x128xf32> to vector<2000x128xf32>
    %get3A_13 = arith.constant 1 : index
    %get3A_14 = arith.constant 0 : index
    %get3A_15 = arith.constant 0 : index
    %get3A_16 = vector.load %arg1[%get3A_13, %get3A_14, %get3A_15] : memref<2x2000x128xf32, #tpu.memory_space<vmem>>, vector<1x2000x128xf32>
    %get3A_17 = vector.shape_cast %get3A_16 : vector<1x2000x128xf32> to vector<2000x128xf32>
    %add3A_18 = arith.addf %get3A_12, %get3A_17 : vector<2000x128xf32>
    %get3A_19 = arith.constant 0 : index
    %get3A_20 = arith.constant 0 : index
    %get3A_21 = vector.load %arg2[%get3A_19, %get3A_20] : memref<2000x128xf32, #tpu.memory_space<vmem>>, vector<2000x128xf32>
    %add3A_22 = arith.addf %add3A_18, %get3A_21 : vector<2000x128xf32>
    %mul3A = vector.broadcast %rsqrt3A : vector<2000x1xf32> to vector<2000x128xf32>
    %mul3A_23 = arith.mulf %add3A_22, %mul3A : vector<2000x128xf32>
    %get3A_24 = arith.constant 0 : index
    %get3A_25 = arith.constant 0 : index
    %get3A_26 = vector.load %arg4[%get3A_24, %get3A_25] : memref<1x128xf32, #tpu.memory_space<vmem>>, vector<1x128xf32>
    %add3A_27 = vector.broadcast %get3A_26 : vector<1x128xf32> to vector<2000x128xf32>
    %add3A_28 = arith.addf %mul3A_23, %add3A_27 : vector<2000x128xf32>
    %max3A = arith.constant 0.000000e+00 : f32
    %max3A_29 = vector.broadcast %max3A : f32 to vector<2000x128xf32>
    %max3A_30 = arith.maximumf %add3A_28, %max3A_29 : vector<2000x128xf32>
    %iota3A = tpu.iota {dimensions = array<i32: 1>} : vector<2000x16xi32>
    %get3A_31 = arith.constant 0 : index
    %get3A_32 = arith.constant 0 : index
    %get3A_33 = vector.load %arg5[%get3A_31, %get3A_32] : memref<2000x1xi32, #tpu.memory_space<vmem>>, vector<2000x1xi32>
    %eq3A = vector.broadcast %get3A_33 : vector<2000x1xi32> to vector<2000x16xi32>
    %eq3A_34 = arith.cmpi eq, %eq3A, %iota3A : vector<2000x16xi32>
    %convert_element_type3A = arith.extui %eq3A_34 : vector<2000x16xi1> to vector<2000x16xi32>
    %convert_element_type3A_35 = arith.sitofp %convert_element_type3A : vector<2000x16xi32> to vector<2000x16xf32>
    %dot_general3A = arith.constant dense<0.000000e+00> : vector<16x128xf32>
    %dot_general3A_36 = tpu.matmul %convert_element_type3A_35, %max3A_30, %dot_general3A {dimension_numbers = #tpu.dot_dimension_numbers<[0], [0], [1], [1], [0, 1, 1, 1], [], []>, transpose_lhs_hint = false} : vector<2000x16xf32>, vector<2000x128xf32>, vector<16x128xf32> -> vector<16x128xf32>
    %broadcast_in_dim3A = arith.constant 1.000000e+00 : f32
    %broadcast_in_dim3A_37 = vector.broadcast %broadcast_in_dim3A : f32 to vector<2000x128xf32>
    %dot_general3A_38 = arith.constant dense<0.000000e+00> : vector<16x128xf32>
    %dot_general3A_39 = tpu.matmul %convert_element_type3A_35, %broadcast_in_dim3A_37, %dot_general3A_38 {dimension_numbers = #tpu.dot_dimension_numbers<[0], [0], [1], [1], [0, 1, 1, 1], [], []>, transpose_lhs_hint = false} : vector<2000x16xf32>, vector<2000x128xf32>, vector<16x128xf32> -> vector<16x128xf32>
    %eq3A_40 = arith.constant 0 : i32
    %eq3A_41 = arith.cmpi eq, %arg0, %eq3A_40 : i32
    %convert_element_type3A_42 = arith.extui %eq3A_41 : i1 to i32
    %cond3A = arith.constant 0 : i32
    %cond3A_43 = arith.cmpi ne, %convert_element_type3A_42, %cond3A : i32
    scf.if %cond3A_43 {
      %broadcast_in_dim3A_79 = arith.constant 0.000000e+00 : f32
      %broadcast_in_dim3A_80 = vector.broadcast %broadcast_in_dim3A_79 : f32 to vector<16x128xf32>
      %swap3A_81 = arith.constant 0 : index
      %swap3A_82 = arith.constant 0 : index
      %swap3A_83 = vector.load %arg9[%swap3A_81, %swap3A_82] : memref<16x128xf32, #tpu.memory_space<vmem>>, vector<16x128xf32>
      tpu.vector_store %arg9[%swap3A_81, %swap3A_82], %broadcast_in_dim3A_80 {strides = array<i32>} : memref<16x128xf32, #tpu.memory_space<vmem>>, vector<16x128xf32>,
      %broadcast_in_dim3A_84 = arith.constant 0.000000e+00 : f32
      %broadcast_in_dim3A_85 = vector.broadcast %broadcast_in_dim3A_84 : f32 to vector<16x128xf32>
      %swap3A_86 = arith.constant 0 : index
      %swap3A_87 = arith.constant 0 : index
      %swap3A_88 = vector.load %arg10[%swap3A_86, %swap3A_87] : memref<16x128xf32, #tpu.memory_space<vmem>>, vector<16x128xf32>
      tpu.vector_store %arg10[%swap3A_86, %swap3A_87], %broadcast_in_dim3A_85 {strides = array<i32>} : memref<16x128xf32, #tpu.memory_space<vmem>>, vector<16x128xf32>,
    } else {
    }
    %get3A_44 = arith.constant 0 : index
    %get3A_45 = arith.constant 0 : index
    %get3A_46 = vector.load %arg9[%get3A_44, %get3A_45] : memref<16x128xf32, #tpu.memory_space<vmem>>, vector<16x128xf32>
    %add3A_47 = arith.addf %get3A_46, %dot_general3A_36 : vector<16x128xf32>
    %swap3A = arith.constant 0 : index
    %swap3A_48 = arith.constant 0 : index
    %swap3A_49 = vector.load %arg9[%swap3A, %swap3A_48] : memref<16x128xf32, #tpu.memory_space<vmem>>, vector<16x128xf32>
    tpu.vector_store %arg9[%swap3A, %swap3A_48], %add3A_47 {strides = array<i32>} : memref<16x128xf32, #tpu.memory_space<vmem>>, vector<16x128xf32>,
    %get3A_50 = arith.constant 0 : index
    %get3A_51 = arith.constant 0 : index
    %get3A_52 = vector.load %arg10[%get3A_50, %get3A_51] : memref<16x128xf32, #tpu.memory_space<vmem>>, vector<16x128xf32>
    %add3A_53 = arith.addf %get3A_52, %dot_general3A_39 : vector<16x128xf32>
    %swap3A_54 = arith.constant 0 : index
    %swap3A_55 = arith.constant 0 : index
    %swap3A_56 = vector.load %arg10[%swap3A_54, %swap3A_55] : memref<16x128xf32, #tpu.memory_space<vmem>>, vector<16x128xf32>
    tpu.vector_store %arg10[%swap3A_54, %swap3A_55], %add3A_53 {strides = array<i32>} : memref<16x128xf32, #tpu.memory_space<vmem>>, vector<16x128xf32>,
    %get3A_57 = arith.constant 0 : index
    %get3A_58 = arith.constant 0 : index
    %get3A_59 = vector.load %arg9[%get3A_57, %get3A_58] : memref<16x128xf32, #tpu.memory_space<vmem>>, vector<16x128xf32>
    %get3A_60 = arith.constant 0 : index
    %get3A_61 = arith.constant 0 : index
    %get3A_62 = vector.load %arg10[%get3A_60, %get3A_61] : memref<16x128xf32, #tpu.memory_space<vmem>>, vector<16x128xf32>
    %max3A_63 = arith.constant 1.000000e+00 : f32
    %max3A_64 = vector.broadcast %max3A_63 : f32 to vector<16x128xf32>
    %max3A_65 = arith.maximumf %get3A_62, %max3A_64 : vector<16x128xf32>
    %div3A = arith.divf %get3A_59, %max3A_65 : vector<16x128xf32>
    %get3A_66 = arith.constant 0 : index
    %get3A_67 = arith.constant 0 : index
    %get3A_68 = vector.load %arg6[%get3A_66, %get3A_67] : memref<128x64xf32, #tpu.memory_space<vmem>>, vector<128x64xf32>
    %dot_general3A_69 = arith.constant dense<0.000000e+00> : vector<16x64xf32>
    %dot_general3A_70 = tpu.matmul %div3A, %get3A_68, %dot_general3A_69 {dimension_numbers = #tpu.dot_dimension_numbers<[1], [0], [0], [1], [0, 0, 1, 1], [], []>, transpose_lhs_hint = false} : vector<16x128xf32>, vector<128x64xf32>, vector<16x64xf32> -> vector<16x64xf32>
    %get3A_71 = arith.constant 0 : index
    %get3A_72 = arith.constant 0 : index
    %get3A_73 = vector.load %arg7[%get3A_71, %get3A_72] : memref<1x64xf32, #tpu.memory_space<vmem>>, vector<1x64xf32>
    %add3A_74 = vector.broadcast %get3A_73 : vector<1x64xf32> to vector<16x64xf32>
    %add3A_75 = arith.addf %dot_general3A_70, %add3A_74 : vector<16x64xf32>
    %swap3A_76 = arith.constant 0 : index
    %swap3A_77 = arith.constant 0 : index
    %swap3A_78 = vector.load %arg8[%swap3A_76, %swap3A_77] : memref<16x64xf32, #tpu.memory_space<vmem>>, vector<16x64xf32>
    tpu.vector_store %arg8[%swap3A_76, %swap3A_77], %add3A_75 {strides = array<i32>} : memref<16x64xf32, #tpu.memory_space<vmem>>, vector<16x64xf32>,
    return
  }
  func.func @transform_0(%arg0: i32) -> (i32, i32, i32) {
    %c0_i32 = arith.constant 0 : i32
    %c0_i32_0 = arith.constant 0 : i32
    %c0_i32_1 = arith.constant 0 : i32
    return %c0_i32, %arg0, %c0_i32_0 : i32, i32, i32
  }
  func.func @transform_1(%arg0: i32) -> (i32, i32) {
    %c0_i32 = arith.constant 0 : i32
    %c0_i32_0 = arith.constant 0 : i32
    return %arg0, %c0_i32 : i32, i32
  }
  func.func @transform_2(%arg0: i32) -> (i32, i32, i32) {
    %c0_i32 = arith.constant 0 : i32
    %c0_i32_0 = arith.constant 0 : i32
    %c0_i32_1 = arith.constant 0 : i32
    return %c0_i32, %arg0, %c0_i32_0 : i32, i32, i32
  }
  func.func @transform_3(%arg0: i32) -> (i32, i32) {
    %c0_i32 = arith.constant 0 : i32
    %c0_i32_0 = arith.constant 0 : i32
    %c0_i32_1 = arith.constant 0 : i32
    return %c0_i32, %c0_i32_0 : i32, i32
  }
  func.func @transform_4(%arg0: i32) -> (i32, i32) {
    %c0_i32 = arith.constant 0 : i32
    %c0_i32_0 = arith.constant 0 : i32
    return %arg0, %c0_i32 : i32, i32
  }
  func.func @transform_5(%arg0: i32) -> (i32, i32) {
    %c0_i32 = arith.constant 0 : i32
    %c0_i32_0 = arith.constant 0 : i32
    %c0_i32_1 = arith.constant 0 : i32
    return %c0_i32, %c0_i32_0 : i32, i32
  }
  func.func @transform_6(%arg0: i32) -> (i32, i32) {
    %c0_i32 = arith.constant 0 : i32
    %c0_i32_0 = arith.constant 0 : i32
    %c0_i32_1 = arith.constant 0 : i32
    return %c0_i32, %c0_i32_0 : i32, i32
  }
  func.func @transform_7(%arg0: i32) -> (i32, i32) {
    %c0_i32 = arith.constant 0 : i32
    %c0_i32_0 = arith.constant 0 : i32
    %c0_i32_1 = arith.constant 0 : i32
    return %c0_i32, %c0_i32_0 : i32, i32
  }
}

</mosaic_0001>

<sc_bundles>
// kernel: kernel.11.cloned.1.call-start
scs
__scs_entry_jumppad:
0x0: {  	(pc) =	sbr.rel $0x88, $3  }
0x1: {  	(tag) =	ssettag $0x0;
	lr =	simm.s32 $0x1  }
0x2: {  	[smem:$0x3F98] =	sst lr;
	_ =	strace $0xD0000000  }
0x3: {  	_ = 	snop  }
0x4: {  	_ = 	snop  }
0x5: {  	_ = 	snop  }
0x6: {  	_ = 	snop  }
0x7: {  	_ = 	snop  }
__scs_overlays_trampoline_lowered:
0x8: {  	[smem:$0x3FA7] =	sst s0  }
0x9: {  	[smem:$0x3FA8] =	sst s1  }
0xa: {  	[smem:$0x3FA9] =	sst s2  }
0xb: {  	[smem:$0x3FAA] =	sst s3  }
0xc: {  	[smem:$0x3FAB] =	sst s4  }
0xd: {  	[smem:$0x3FAC] =	sst s5  }
0xe: {  	[smem:$0x3FAD] =	sst s6  }
0xf: {  	[smem:$0x3FAE] =	sst s7  }
0x10: {  	[smem:$0x3FAF] =	sst s8  }
0x11: {  	[smem:$0x3FB0] =	sst s9;
	s0 =	simm.s32 @!p0 $0x0  }
0x12: {  	s1 =	sld [smem:$0x3F96];
	s0 =	simm.s32 @p0 $0x1  }
0x13: {  	[smem:$0x3FB1] =	sst s0;
	s0 =	simm.s32 @!p1 $0x0  }
0x14: {  	s2 =	sld [smem:$0x3F95];
	s0 =	simm.s32 @p1 $0x1  }
0x15: {  	[smem:$0x3FB2] =	sst s0;
	s0 =	simm.s32 @!p2 $0x0  }
0x16: {  	s3 =	sld [smem:$0x3FDB];
	s0 =	simm.s32 @p2 $0x1  }
0x17: {  	s4 =	simm.s32 $0x1BF5;
	[smem:$0x3FB4] =	sst s0  }
0x18: {  	s0 =	sld [smem:$0x3F97];
	_ =	swait.ge [sflag:s4], $0x0  }
0x19: {  	s7 =	sld [smem:$0x3F98]  }
0x1a: {  	s8 =	sadd.s32 $0xFFFFE003, lr  }
0x1b: {  	s9 =	sadd.s32 $0xFFFFFEF7, lr;
	s5 =	simm.s32 $0xFFFFFFFF;
	p2 =	slt.u32 s8, $0xFFFFF086  }
0x1c: {  	p1 =	slt.u32 s9, $0xF7A;
	s5 =	simm.s32 @!p2 $0x0  }
0x1d: {  	s5 =	simm.s32 @p1 $0x1;
	p0 =	seq.s32 s7, s2  }
0x1e: {  	s7 =	smul.u32 @!p0 $0xF7A, s2;
	p2 =	seq.s32 @!p0 s5, $0x0  }
0x1f: {  	s9 =	smul.u32 $0xF7A, s1;
	s8 =	simm.s32 @!p0 $0x1BF5;
	p2 =	por !p2, p0  }
0x20: {  	[sflag:s8] =	ssyncset.s32 @!p0 $0xFFFFF086;
	s6 =	sadd.s32 @!p0 s3, s7;
	s7 =	simm.s32 @!p0 $0x108  }
0x21: {  	s3 =	sadd.s32 s3, s9;
	s6 =	sadd.s32 @!p0 $0x88, s6;
	s7 =	simm.s32 @p2 $0x1082  }
0x22: {  	[simem:s7], [sflag:s8] =	dma.local @!p0 [hbm:s6], $0xF7A  }
0x23: {  	s9 =	sor.u32 $0xD0000000, s2;
	s6 =	simm.s32 $0x108;
	_ =	swait.ge @!p0 [sflag:s8], $0x0  }
0x24: {  	s3 =	sadd.s32 $0x88, s3;
	s6 =	simm.s32 @!p1 $0x1082;
	[sflag:s4] =	ssyncset.s32 $0xFFFFF086  }
0x25: {  	[simem:s6], [sflag:s4] =	dma.local [hbm:s3], $0xF7A  }
0x26: {  	[smem:$0x3F98] =	sst s1;
	(tag) =	ssettag s2;
	_ =	strace s9  }
0x27: {  	s1 =	sld [smem:$0x3FA8]  }
0x28: {  	s2 =	sld [smem:$0x3FA9]  }
0x29: {  	s4 =	sld [smem:$0x3FAB]  }
0x2a: {  	p0 =	seq.s32 s5, $0x0;
	s5 =	sld [smem:$0x3FAC]  }
0x2b: {  	s6 =	sld [smem:$0x3FAD]  }
0x2c: {  	s7 =	sld [smem:$0x3FAE]  }
0x2d: {  	s3 =	simm.s32 $0x108;
	s8 =	sld [smem:$0x3FAF]  }
0x2e: {  	s3 =	simm.s32 @!p0 $0x1082;
	s9 =	sld [smem:$0x3FB0]  }
0x2f: {  	lr =	sadd.s32 s0, s3;
	s0 =	sld [smem:$0x3FA7]  }
0x30: {  	s3 =	sld [smem:$0x3FAA]  }
0x31: {  	[smem:$0x3FB3] =	sst s10  }
0x32: {  	s10 =	sld [smem:$0x3FB1];
	_ =	sdelay $0x3  }
0x33: {  	p0 =	seq.s32 s10, $0x1;
	s10 =	sld [smem:$0x3FB3];
	_ =	sdelay $0x3  }
0x34: {  	[smem:$0x3FB3] =	sst s10  }
0x35: {  	s10 =	sld [smem:$0x3FB2];
	_ =	sdelay $0x3  }
0x36: {  	p1 =	seq.s32 s10, $0x1;
	s10 =	sld [smem:$0x3FB3];
	_ =	sdelay $0x3  }
0x37: {  	[smem:$0x3FB3] =	sst s10  }
0x38: {  	s10 =	sld [smem:$0x3FB4]  }
0x39: {  	_ = 	snop;
	(pc) =	sbr.ind lr, $3  }
0x3a: {  	_ = 	snop  }
0x3b: {  	_ = 	snop  }
0x3c: {  	p2 =	seq.s32 s10, $0x1;
	s10 =	sld [smem:$0x3FB3]  }
0x3d: {  	_ =	shalt  }
0x3e: {  	_ =	shalt  }
0x3f: {  	_ =	shalt  }
0x40: {  	_ =	shalt  }
0x41: {  	_ =	shalt  }
0x42: {  	_ =	shalt  }
0x43: {  	_ =	shalt  }
0x44: {  	_ =	shalt  }
0x45: {  	_ =	shalt  }
0x46: {  	_ =	shalt  }
0x47: {  	_ =	shalt  }
0x48: {  	_ =	shalt  }
0x49: {  	_ =	shalt  }
0x4a: {  	_ =	shalt  }
0x4b: {  	_ =	shalt  }
0x4c: {  	_ =	shalt  }
0x4d: {  	_ =	shalt  }
0x4e: {  	_ =	shalt  }
0x4f: {  	_ =	shalt  }
0x50: {  	_ =	shalt  }
0x51: {  	_ =	shalt  }
0x52: {  	_ =	shalt  }
0x53: {  	_ =	shalt  }
0x54: {  	_ =	shalt  }
0x55: {  	_ =	shalt  }
0x56: {  	_ =	shalt  }
0x57: {  	_ =	shalt  }
0x58: {  	_ =	shalt  }
0x59: {  	_ =	shalt  }
0x5a: {  	_ =	shalt  }
0x5b: {  	_ =	shalt  }
0x5c: {  	_ =	shalt  }
0x5d: {  	_ =	shalt  }
0x5e: {  	_ =	shalt  }
0x5f: {  	_ =	shalt  }
0x60: {  	_ =	shalt  }
0x61: {  	_ =	shalt  }
0x62: {  	_ =	shalt  }
0x63: {  	_ =	shalt  }
0x64: {  	_ =	shalt  }
0x65: {  	_ =	shalt  }
0x66: {  	_ =	shalt  }
0x67: {  	_ =	shalt  }
0x68: {  	_ =	shalt  }
0x69: {  	_ =	shalt  }
0x6a: {  	_ =	shalt  }
0x6b: {  	_ =	shalt  }
0x6c: {  	_ =	shalt  }
0x6d: {  	_ =	shalt  }
0x6e: {  	_ =	shalt  }
0x6f: {  	_ =	shalt  }
0x70: {  	_ =	shalt  }
0x71: {  	_ =	shalt  }
0x72: {  	_ =	shalt  }
0x73: {  	_ =	shalt  }
0x74: {  	_ =	shalt  }
0x75: {  	_ =	shalt  }
0x76: {  	_ =	shalt  }
0x77: {  	_ =	shalt  }
0x78: {  	_ =	shalt  }
0x79: {  	_ =	shalt  }
0x7a: {  	_ =	shalt  }
0x7b: {  	_ =	shalt  }
0x7c: {  	_ =	shalt  }
0x7d: {  	_ =	shalt  }
0x7e: {  	_ =	shalt  }
0x7f: {  	_ =	shalt  }
0x80: {  	_ =	shalt  }
0x81: {  	_ =	shalt  }
0x82: {  	_ =	shalt  }
0x83: {  	_ =	shalt  }
0x84: {  	_ =	shalt  }
0x85: {  	_ =	shalt  }
0x86: {  	_ =	shalt  }
0x87: {  	_ =	shalt  }
.Lfunc_end0:
.L_simem_size_0:
called_computation.1_lowered:
.L_overlay_start_0:
0x88: {  	s2 =	sld [smem:$0x3FD9]  }
0x89: {  	s3 =	sld [smem:$0x3FFE];
	_ =	sdelay $0x1  }
0x8a: {  	s1 =	srdreg.scid  }
0x8b: {  	s0 =	sand.u32 $0x1, s1  }
0x8c: {  	s16 =	sshll.u32 s0, $0xA;
	s2 =	sadd.s32 s3, s2  }
0x8d: {  	s2 =	sadd.s32 s2, s16  }
0x8e: {  	[smem:$0x3FBF] =	sst s2  }
0x8f: {  	_ = 	snop  }
0x90: {  	(tm) =	ssettm $0x1  }
0x91: {  	s17 =	sld [smem:$0x3FFB];
	_ =	sdelay $0x3  }
0x92: {  	_ =	strace s17  }
0x93: {  	s2 =	sld [smem:$0x3FFC];
	_ =	sdelay $0x3  }
0x94: {  	_ =	strace s2  }
0x95: {  	s2 =	sld [smem:$0x3FFD];
	_ =	sdelay $0x3  }
0x96: {  	_ =	strace s2  }
0x97: {  	_ =	strace $0x8FFFFFFF  }
0x98: {  	s18 =	sld [smem:$0x3FDB];
	_ =	sdelay $0x1  }
0x99: {  	s19 =	simm.s32 $_scs_section_size  }
0x9a: {  	s4 =	simm.s32 $_size__tile_overlayer_lowered;
	s5 =	simm.s32 $_tile_overlayer_lowered  }
0x9b: {  	s22 =	simm.s32 $0x1BFF;
	s21 =	sshll.u32 s5, $0x1;
	s2 =	sadd.s32 s19, s18  }
0x9c: {  	s6 =	simm.s32 $0x0;
	s20 =	sshll.u32 s4, $0x1;
	s4 =	sadd.s32 s21, s2  }
0x9d: {  	[timem:s6], [sflag:s22] =	dma.local [hbm:s4], s20  }
0x9e: {  	_ =	swait.ge [sflag:s22], s20  }
0x9f: {  	s3 =	ssub.s32 $0x0, s20;
	[sflag:s22] =	ssyncset.done $0x0  }
0xa0: {  	[sflag:s22] =	ssyncadd.s32 s3;
	_ =	sdelay $0x1  }
0xa1: {  	s23 =	simm.s32 $0x1B8B  }
0xa2: {  	_ =	swait.ge [sflag:s23], $0x1  }
0xa3: {  	[sflag:s23] =	ssyncset.done $0x0  }
0xa4: {  	s25 =	simm.s32 $0x1B8E;
	s24 =	sld [smem:$0x3FFE];
	[sflag:s23] =	ssyncadd.s32 $0xFFFFFFFF  }
0xa5: {  	s26 =	simm.s32 $execute0_lowered;
	[smem:$0x3FD2] =	sst s25  }
0xa6: {  	s4 =	sshll.u32 s26, $0x1;
	_ =	strace $0x80000049;
	[dreg:$0x1] =	wrdreg $0xFFFFFFFF  }
0xa7: {  	s28 =	simm.s32 $_size_execute0_lowered;
	s2 =	sadd.s32 s2, s4;
	[dreg:$0x0] =	wrdreg $0x0  }
0xa8: {  	s4 =	sshll.u32 s28, $0x1;
	[dreg:$0x2] =	wrdreg s2  }
0xa9: {  	[dreg:$0x3] =	wrdreg s4  }
0xaa: {  	[dreg:$0x4] =	wrdreg $0xC0  }
0xab: {  	_ =	task [dreg:s6], $0x5FFFF  }
0xac: {  	[dreg:$0x1] =	wrdreg $0xFFFFFFFF  }
0xad: {  	[dreg:$0x0] =	wrdreg $0x60  }
0xae: {  	[dreg:$0x2] =	wrdreg s24  }
0xaf: {  	[dreg:$0x3] =	wrdreg $0x90000  }
0xb0: {  	[dreg:$0x4] =	wrdreg $0x9  }
0xb1: {  	_ =	task.clear_ibuf [dreg:s6], $0x5FFFF;
	_ =	strace $0x90000049  }
0xb2: {  	s29 =	simm.s32 $0x9;
	_ =	strace $0x8000004B  }
0xb3: {  	_ =	swait.ge [sflag:s29], $0x1  }
0xb4: {  	[sflag:s29] =	ssyncadd.s32 $0xFFFFFFFF  }
0xb5: {  	_ =	strace $0x9000004B  }
0xb6: {  	_ =	sfence  }
0xb7: {  	s30 =	sld [smem:$0x0];
	_ =	sdelay $0x2  }
0xb8: {  	s31 =	sshll.u32 s1, $0xD;
	s1 =	sshrl.u32 s1, $0x2  }
0xb9: {  	s3 =	sand.u32 $0x4000, s31;
	s1 =	sadd.s32 s1, s30  }
0xba: {  	s0 =	sor.u32 s3, s0;
	s1 =	sshll.u32 s1, $0x11  }
0xbb: {  	s0 =	sor.u32 s1, s0  }
0xbc: {  	s0 =	sadd.s32 $0x8F2B, s0  }
0xbd: {  	[sflag:s0] =	ssyncadd.remote.s32 $0x1  }
0xbe: {  	_ =	sfence.sel $0xFFFF  }
0xbf: {  	[dreg:$0x0] =	wrdreg $0xFFFFFFFF;
	(pc) =	sbr.abs _section_cstart, $3  }
0xc0: {  	[dreg:$0x1] =	wrdreg $0xFFFFFFFF  }
0xc1: {  	_ =	task.clear_ibuf [dreg:s6], $0x2FFFF;
	_ =	strace $0x9FFFFFFF  }
0xc2: {  	(tm) =	ssettm $0x7FFFFFFF  }
0xc3: {  	_ =	shalt  }
tec
execute0_lowered:
.L_overlay_start_1:
0x0: {  	(tag) =	ssettag $0x1  }
0x1: {  	s6 =	rddreg [dreg:$0x0]  }
0x2: {  	s0 =	srdreg.scid;
	s2 =	rddreg [dreg:$0x1]  }
0x3: {  	s1 =	stileid.u32;
	s3 =	simm.s32 $0x0;
	s16 =	simm.s32 $0x5000  }
0x4: {  	s7 =	sand.u32 $0x1, s0;
	s0 =	rddreg [dreg:$0x2];
	s11 =	smul.u32 $0x4F000, s1  }
0x5: {  	s19 =	simm.s32 $0x0;
	[smem:$0x7FF] =	sst s3;
	s29 =	smul.u32 $0x13800, s1  }
0x6: {  	s12 =	sadd.s32 $0x8F200, s6;
	s28 =	sshll.u32 s1, $0x6;
	s30 =	smul.u32 $0x4E000, s1  }
0x7: {  	s18 =	sadd.s32 $0x138000, s2;
	p0 =	sne.s32 s1, $0xF;
	s4 =	sshll.u32 s7, $0x4  }
0x8: {  	_ =	strace $0x8000004A;
	s9 =	ssub.s32 $0x2, s7;
	s25 =	smul.u32 $0x138800, s7  }
0x9: {  	s18 =	sshrl.u32 @!p0 s18, $0x3;
	s4 =	sor.u32 s1, s4;
	s10 =	sshrl.u32 s9, $0x1  }
0xa: {  	s26 =	sshrl.u32 s11, $0x2;
	s11 =	sshrl.u32 s30, $0x2;
	s5 =	smul.u32 $0x500, s4  }
0xb: {  	s4 =	sadd.s32 $0x68000, s6;
	s13 =	ssub.s32 s9, s10;
	s14 =	sadd.s32 s26, s2  }
0xc: {  	s10 =	sadd.s32 s29, s25;
	s15 =	sshrl.u32 s25, $0x3;
	s17 =	sadd.s32 s11, s2  }
0xd: {  	s10 =	sshrl.u32 s10, $0x3;
	s31 =	sadd.s32 s12, s15;
	s11 =	smax.u32 s13, $0x1  }
0xe: {  	s13 =	simm.s32 $0x1;
	s15 =	simm.s32 $0x80;
	s17 =	sshrl.u32 s17, $0x3  }
0xf: {  	s8 =	sadd.s32 s5, s6;
	s5 =	sadd.s32 $0xCE00, s6;
	s6 =	sor.u32 $0x1C01, s28  }
0x10: {  	s9 =	sadd.s32 s12, s10;
	s10 =	sadd.s32 $0x27000, s31;
	s12 =	sshrl.u32 s14, $0x3  }
0x11: {  	s14 =	simm.s32 $0x2800;
	s7 =	sadd.s32 $0x5E000, s8;
	s8 =	sadd.s32 $0x2E00, s8  }
.LBB2_1:
0x12: {  	[spmem:s12], [sflag:s6] =	dma.local [hbm:s5], $0x2780  }
0x13: {  	_ =	swait.ge [sflag:s13], $0x2780  }
0x14: {  	[sflag:s13] =	ssyncset.done $0x0  }
0x15: {  	[sflag:s13] =	ssyncadd.s32 $0xFFFFD880  }
0x16: {  	[tilespmem:s3], [sflag:$0x1] =	stream.linear.gather [hbm4b:s7+s3], $0x2800, $0x38;
	[tilespmem:$0x1CC00] =	vst v63  }
0x17: {  	_ =	swait.ge [sflag:s13], $0x2800  }
0x18: {  	[sflag:s13] =	ssyncset.done $0x0  }
0x19: {  	[sflag:s13] =	ssyncadd.s32 $0xFFFFD800  }
0x1a: {  	[tilespmem:s14], [sflag:$0x1] =	stream.linear.gather [hbm4b:s8+s3], $0x2800, $0x38;
	[tilespmem:$0x1CC00] =	vst v63  }
0x1b: {  	_ =	swait.ge [sflag:s13], $0x2800  }
0x1c: {  	[sflag:s13] =	ssyncset.done $0x0  }
0x1d: {  	[sflag:s13] =	ssyncadd.s32 $0xFFFFD800  }
0x1e: {  	s20 =	simm.s32 $0x0;
	[bflag:$0x0] =	sbarrier.arrive $0xFFFF  }
0x1f: {  	[tilespmem:s16], [sflag:$0x1] =	stream.indirect.gather [hbm4b:s4+s15], $0x80, s20, s15, $0xb8;
	[tilespmem:$0x1CC00] =	vst v63  }
0x20: {  	_ =	swait.ge [sflag:s13], $0x4000  }
0x21: {  	[sflag:s13] =	ssyncset.done $0x0  }
0x22: {  	s31 =	simm.s32 $0x2800;
	[sflag:s13] =	ssyncadd.s32 $0xFFFFC000  }
0x23: {  	[spmem:s2] =	stream.indirect.scatter.add.f32 [tilespmem:s16], [sflag:$0x1], $0x80, s31, s15, $0xb8;
	[tilespmem:$0x1CC00] =	vst v63  }
0x24: {  	_ =	swait.ge [sflag:s13], $0x4000  }
0x25: {  	s21 =	simm.s32 $0x400;
	s20 =	simm.s32 $0x200;
	[sflag:s13] =	ssyncset.done $0x0  }
.LBB2_2:
0x26: {  	s22 =	sshra.s32 s20, $0x2  }
0x27: {  	[sflag:s13] =	ssyncadd.s32 $0xFFFFC000;
	s20 =	smov.u32 s21;
	s23 =	sadd.s32 $0x200, s21  }
0x28: {  	[tilespmem:s16], [sflag:$0x1] =	stream.indirect.gather [hbm4b:s4+s15], $0x80, s22, s15, $0xb8;
	[tilespmem:$0x1CC00] =	vst v63  }
0x29: {  	p1 =	sne.s32 s21, $0x9E00;
	_ =	swait.ge [sflag:s13], $0x4000  }
.Ltmp0:
0x2a: {  	[sflag:s13] =	ssyncset.done $0x0;
	(pc) =	sbr.rel @p1 .LBB2_2-.Ltmp0, $4  }
0x2b: {  	s21 =	sadd.s32 $0x2800, s22;
	[sflag:s13] =	ssyncadd.s32 $0xFFFFC000  }
0x2c: {  	[spmem:s2] =	stream.indirect.scatter.add.f32 [tilespmem:s16], [sflag:$0x1], $0x80, s21, s15, $0xb8;
	[tilespmem:$0x1CC00] =	vst v63  }
0x2d: {  	_ =	swait.ge [sflag:s13], $0x4000  }
0x2e: {  	s21 =	smov.u32 s23;
	[sflag:s13] =	ssyncset.done $0x0  }
0x2f: {  	s20 =	sshra.s32 s20, $0x2;
	[sflag:s13] =	ssyncadd.s32 $0xFFFFC000  }
0x30: {  	[tilespmem:s16], [sflag:$0x1] =	stream.indirect.gather [hbm4b:s4+s15], $0x80, s20, s15, $0xb8;
	[tilespmem:$0x1CC00] =	vst v63  }
0x31: {  	_ =	swait.ge [sflag:s13], $0x4000  }
0x32: {  	[sflag:s13] =	ssyncset.done $0x0  }
0x33: {  	s20 =	sadd.s32 $0x2800, s20;
	[sflag:s13] =	ssyncadd.s32 $0xFFFFC000  }
0x34: {  	[spmem:s2] =	stream.indirect.scatter.add.f32 [tilespmem:s16], [sflag:$0x1], $0x80, s20, s15, $0xb8;
	[tilespmem:$0x1CC00] =	vst v63  }
0x35: {  	_ =	swait.ge [sflag:s13], $0x4000  }
0x36: {  	[sflag:s13] =	ssyncset.done $0x0  }
0x37: {  	[sflag:s13] =	ssyncadd.s32 $0xFFFFC000  }
0x38: {  	[bflag:$0x0] =	sbarrier.arrive $0xFFFF  }
0x39: {  	[hbm:s9], [sflag:s6] =	dma.local [spmem:s17], $0x2700  }
0x3a: {  	s19 =	sadd.s32 $0x1, s19;
	_ =	swait.ge [sflag:s13], $0x2700  }
0x3b: {  	p1 =	sne.s32 s19, s11;
	[sflag:s13] =	ssyncset.done $0x0  }
.Ltmp1:
0x3c: {  	s20 =	simm.s32 @!p0 $0x1;
	[sflag:s13] =	ssyncadd.s32 $0xFFFFD900;
	(pc) =	sbr.rel @p1 .LBB2_1-.Ltmp1, $4  }
0x3d: {  	[hbm:s10], [sflag:s6] =	dma.local @!p0 [spmem:s18], $0x100  }
0x3e: {  	_ =	swait.ge @!p0 [sflag:s20], $0x100  }
0x3f: {  	[sflag:s20] =	ssyncset.done @!p0 $0x0  }
0x40: {  	[sflag:s20] =	ssyncadd.s32 @!p0 $0xFFFFFF00  }
0x41: {  	_ =	sfence.sel $0x180000  }
0x42: {  	[bflag:$0x0] =	sbarrier.arrive $0xFFFF  }
0x43: {  	p0 =	sne.s32 s1, $0x0;
	_ =	strace $0x9000004A  }
0x44: {  	s0 =	sadd.s32 @!p0 $0x100000, s0;
	[bflag:$0x2] =	sbarrier.arrive $0xFFFF  }
0x45: {  	[sflag:s0] =	ssyncadd.tile.s32 @!p0 $0x1;
	_ =	shalt  }
.Lfunc_end2:
_tile_overlayer_lowered:
.L_overlay_start_2:
0x46: {  	(tag) =	ssettag $0x2  }
0x47: {  	s0 =	rddreg [dreg:$0x0];
	s2 =	stileid.u32  }
0x48: {  	s1 =	rddreg [dreg:$0x1];
	p0 =	sne.s32 s2, $0x0  }
0x49: {  	s3 =	rddreg [dreg:$0x2];
	[bflag:$0x3] =	sbarrier.arrive $0xFFFF;
	s2 =	simm.s32 @!p0 $0x1C01  }
0x4a: {  	[timem:s3], [sflag:s2] =	dma.local @!p0 [hbm:s0], s1  }
0x4b: {  	s0 =	simm.s32 @!p0 $0x1  }
0x4c: {  	_ =	swait.ge @!p0 [sflag:s0], s1  }
0x4d: {  	s1 =	ssub.s32 @!p0 $0x0, s1;
	[sflag:s0] =	ssyncset.done @!p0 $0x0  }
0x4e: {  	[sflag:s0] =	ssyncadd.s32 @!p0 s1  }
0x4f: {  	[bflag:$0x3] =	sbarrier.arrive $0xFFFF  }
0x50: {  	_ =	shalt  }

// kernel: kernel.14.cloned.1.call-start
scs
__scs_entry_jumppad:
0x0: {  	(pc) =	sbr.rel $0x88, $3  }
0x1: {  	(tag) =	ssettag $0x0;
	lr =	simm.s32 $0x1  }
0x2: {  	[smem:$0x3F98] =	sst lr;
	_ =	strace $0xD0000000  }
0x3: {  	_ = 	snop  }
0x4: {  	_ = 	snop  }
0x5: {  	_ = 	snop  }
0x6: {  	_ = 	snop  }
0x7: {  	_ = 	snop  }
__scs_overlays_trampoline_lowered:
0x8: {  	[smem:$0x3FA7] =	sst s0  }
0x9: {  	[smem:$0x3FA8] =	sst s1  }
0xa: {  	[smem:$0x3FA9] =	sst s2  }
0xb: {  	[smem:$0x3FAA] =	sst s3  }
0xc: {  	[smem:$0x3FAB] =	sst s4  }
0xd: {  	[smem:$0x3FAC] =	sst s5  }
0xe: {  	[smem:$0x3FAD] =	sst s6  }
0xf: {  	[smem:$0x3FAE] =	sst s7  }
0x10: {  	[smem:$0x3FAF] =	sst s8  }
0x11: {  	[smem:$0x3FB0] =	sst s9;
	s0 =	simm.s32 @!p0 $0x0  }
0x12: {  	s1 =	sld [smem:$0x3F96];
	s0 =	simm.s32 @p0 $0x1  }
0x13: {  	[smem:$0x3FB1] =	sst s0;
	s0 =	simm.s32 @!p1 $0x0  }
0x14: {  	s2 =	sld [smem:$0x3F95];
	s0 =	simm.s32 @p1 $0x1  }
0x15: {  	[smem:$0x3FB2] =	sst s0;
	s0 =	simm.s32 @!p2 $0x0  }
0x16: {  	s3 =	sld [smem:$0x3FDB];
	s0 =	simm.s32 @p2 $0x1  }
0x17: {  	s4 =	simm.s32 $0x1BF5;
	[smem:$0x3FB4] =	sst s0  }
0x18: {  	s0 =	sld [smem:$0x3F97];
	_ =	swait.ge [sflag:s4], $0x0  }
0x19: {  	s7 =	sld [smem:$0x3F98]  }
0x1a: {  	s8 =	sadd.s32 $0xFFFFE003, lr  }
0x1b: {  	s9 =	sadd.s32 $0xFFFFFEF7, lr;
	s5 =	simm.s32 $0xFFFFFFFF;
	p2 =	slt.u32 s8, $0xFFFFF086  }
0x1c: {  	p1 =	slt.u32 s9, $0xF7A;
	s5 =	simm.s32 @!p2 $0x0  }
0x1d: {  	s5 =	simm.s32 @p1 $0x1;
	p0 =	seq.s32 s7, s2  }
0x1e: {  	s7 =	smul.u32 @!p0 $0xF7A, s2;
	p2 =	seq.s32 @!p0 s5, $0x0  }
0x1f: {  	s9 =	smul.u32 $0xF7A, s1;
	s8 =	simm.s32 @!p0 $0x1BF5;
	p2 =	por !p2, p0  }
0x20: {  	[sflag:s8] =	ssyncset.s32 @!p0 $0xFFFFF086;
	s6 =	sadd.s32 @!p0 s3, s7;
	s7 =	simm.s32 @!p0 $0x108  }
0x21: {  	s3 =	sadd.s32 s3, s9;
	s6 =	sadd.s32 @!p0 $0x88, s6;
	s7 =	simm.s32 @p2 $0x1082  }
0x22: {  	[simem:s7], [sflag:s8] =	dma.local @!p0 [hbm:s6], $0xF7A  }
0x23: {  	s9 =	sor.u32 $0xD0000000, s2;
	s6 =	simm.s32 $0x108;
	_ =	swait.ge @!p0 [sflag:s8], $0x0  }
0x24: {  	s3 =	sadd.s32 $0x88, s3;
	s6 =	simm.s32 @!p1 $0x1082;
	[sflag:s4] =	ssyncset.s32 $0xFFFFF086  }
0x25: {  	[simem:s6], [sflag:s4] =	dma.local [hbm:s3], $0xF7A  }
0x26: {  	[smem:$0x3F98] =	sst s1;
	(tag) =	ssettag s2;
	_ =	strace s9  }
0x27: {  	s1 =	sld [smem:$0x3FA8]  }
0x28: {  	s2 =	sld [smem:$0x3FA9]  }
0x29: {  	s4 =	sld [smem:$0x3FAB]  }
0x2a: {  	p0 =	seq.s32 s5, $0x0;
	s5 =	sld [smem:$0x3FAC]  }
0x2b: {  	s6 =	sld [smem:$0x3FAD]  }
0x2c: {  	s7 =	sld [smem:$0x3FAE]  }
0x2d: {  	s3 =	simm.s32 $0x108;
	s8 =	sld [smem:$0x3FAF]  }
0x2e: {  	s3 =	simm.s32 @!p0 $0x1082;
	s9 =	sld [smem:$0x3FB0]  }
0x2f: {  	lr =	sadd.s32 s0, s3;
	s0 =	sld [smem:$0x3FA7]  }
0x30: {  	s3 =	sld [smem:$0x3FAA]  }
0x31: {  	[smem:$0x3FB3] =	sst s10  }
0x32: {  	s10 =	sld [smem:$0x3FB1];
	_ =	sdelay $0x3  }
0x33: {  	p0 =	seq.s32 s10, $0x1;
	s10 =	sld [smem:$0x3FB3];
	_ =	sdelay $0x3  }
0x34: {  	[smem:$0x3FB3] =	sst s10  }
0x35: {  	s10 =	sld [smem:$0x3FB2];
	_ =	sdelay $0x3  }
0x36: {  	p1 =	seq.s32 s10, $0x1;
	s10 =	sld [smem:$0x3FB3];
	_ =	sdelay $0x3  }
0x37: {  	[smem:$0x3FB3] =	sst s10  }
0x38: {  	s10 =	sld [smem:$0x3FB4]  }
0x39: {  	_ = 	snop;
	(pc) =	sbr.ind lr, $3  }
0x3a: {  	_ = 	snop  }
0x3b: {  	_ = 	snop  }
0x3c: {  	p2 =	seq.s32 s10, $0x1;
	s10 =	sld [smem:$0x3FB3]  }
0x3d: {  	_ =	shalt  }
0x3e: {  	_ =	shalt  }
0x3f: {  	_ =	shalt  }
0x40: {  	_ =	shalt  }
0x41: {  	_ =	shalt  }
0x42: {  	_ =	shalt  }
0x43: {  	_ =	shalt  }
0x44: {  	_ =	shalt  }
0x45: {  	_ =	shalt  }
0x46: {  	_ =	shalt  }
0x47: {  	_ =	shalt  }
0x48: {  	_ =	shalt  }
0x49: {  	_ =	shalt  }
0x4a: {  	_ =	shalt  }
0x4b: {  	_ =	shalt  }
0x4c: {  	_ =	shalt  }
0x4d: {  	_ =	shalt  }
0x4e: {  	_ =	shalt  }
0x4f: {  	_ =	shalt  }
0x50: {  	_ =	shalt  }
0x51: {  	_ =	shalt  }
0x52: {  	_ =	shalt  }
0x53: {  	_ =	shalt  }
0x54: {  	_ =	shalt  }
0x55: {  	_ =	shalt  }
0x56: {  	_ =	shalt  }
0x57: {  	_ =	shalt  }
0x58: {  	_ =	shalt  }
0x59: {  	_ =	shalt  }
0x5a: {  	_ =	shalt  }
0x5b: {  	_ =	shalt  }
0x5c: {  	_ =	shalt  }
0x5d: {  	_ =	shalt  }
0x5e: {  	_ =	shalt  }
0x5f: {  	_ =	shalt  }
0x60: {  	_ =	shalt  }
0x61: {  	_ =	shalt  }
0x62: {  	_ =	shalt  }
0x63: {  	_ =	shalt  }
0x64: {  	_ =	shalt  }
0x65: {  	_ =	shalt  }
0x66: {  	_ =	shalt  }
0x67: {  	_ =	shalt  }
0x68: {  	_ =	shalt  }
0x69: {  	_ =	shalt  }
0x6a: {  	_ =	shalt  }
0x6b: {  	_ =	shalt  }
0x6c: {  	_ =	shalt  }
0x6d: {  	_ =	shalt  }
0x6e: {  	_ =	shalt  }
0x6f: {  	_ =	shalt  }
0x70: {  	_ =	shalt  }
0x71: {  	_ =	shalt  }
0x72: {  	_ =	shalt  }
0x73: {  	_ =	shalt  }
0x74: {  	_ =	shalt  }
0x75: {  	_ =	shalt  }
0x76: {  	_ =	shalt  }
0x77: {  	_ =	shalt  }
0x78: {  	_ =	shalt  }
0x79: {  	_ =	shalt  }
0x7a: {  	_ =	shalt  }
0x7b: {  	_ =	shalt  }
0x7c: {  	_ =	shalt  }
0x7d: {  	_ =	shalt  }
0x7e: {  	_ =	shalt  }
0x7f: {  	_ =	shalt  }
0x80: {  	_ =	shalt  }
0x81: {  	_ =	shalt  }
0x82: {  	_ =	shalt  }
0x83: {  	_ =	shalt  }
0x84: {  	_ =	shalt  }
0x85: {  	_ =	shalt  }
0x86: {  	_ =	shalt  }
0x87: {  	_ =	shalt  }
.Lfunc_end0:
.L_simem_size_0:
called_computation.2_lowered:
.L_overlay_start_0:
0x88: {  	s2 =	sld [smem:$0x3FD9]  }
0x89: {  	s3 =	sld [smem:$0x3FFE];
	_ =	sdelay $0x1  }
0x8a: {  	s1 =	srdreg.scid  }
0x8b: {  	s0 =	sand.u32 $0x1, s1  }
0x8c: {  	s16 =	sshll.u32 s0, $0xA;
	s2 =	sadd.s32 s3, s2  }
0x8d: {  	s2 =	sadd.s32 s2, s16  }
0x8e: {  	[smem:$0x3FBF] =	sst s2  }
0x8f: {  	_ = 	snop  }
0x90: {  	(tm) =	ssettm $0x1  }
0x91: {  	s17 =	sld [smem:$0x3FFB];
	_ =	sdelay $0x3  }
0x92: {  	_ =	strace s17  }
0x93: {  	s2 =	sld [smem:$0x3FFC];
	_ =	sdelay $0x3  }
0x94: {  	_ =	strace s2  }
0x95: {  	s2 =	sld [smem:$0x3FFD];
	_ =	sdelay $0x3  }
0x96: {  	_ =	strace s2  }
0x97: {  	_ =	strace $0x8FFFFFFF  }
0x98: {  	s18 =	sld [smem:$0x3FDB];
	_ =	sdelay $0x1  }
0x99: {  	s19 =	simm.s32 $_scs_section_size  }
0x9a: {  	s4 =	simm.s32 $_size__tile_overlayer_lowered;
	s5 =	simm.s32 $_tile_overlayer_lowered  }
0x9b: {  	s22 =	simm.s32 $0x1BFF;
	s21 =	sshll.u32 s5, $0x1;
	s2 =	sadd.s32 s19, s18  }
0x9c: {  	s6 =	simm.s32 $0x0;
	s20 =	sshll.u32 s4, $0x1;
	s4 =	sadd.s32 s21, s2  }
0x9d: {  	[timem:s6], [sflag:s22] =	dma.local [hbm:s4], s20  }
0x9e: {  	_ =	swait.ge [sflag:s22], s20  }
0x9f: {  	s3 =	ssub.s32 $0x0, s20;
	[sflag:s22] =	ssyncset.done $0x0  }
0xa0: {  	[sflag:s22] =	ssyncadd.s32 s3;
	_ =	sdelay $0x1  }
0xa1: {  	s23 =	simm.s32 $0x1B8B  }
0xa2: {  	_ =	swait.ge [sflag:s23], $0x1  }
0xa3: {  	[sflag:s23] =	ssyncset.done $0x0  }
0xa4: {  	s25 =	simm.s32 $0x1B8E;
	s24 =	sld [smem:$0x3FFE];
	[sflag:s23] =	ssyncadd.s32 $0xFFFFFFFF  }
0xa5: {  	s26 =	simm.s32 $execute0_lowered;
	[smem:$0x3FD2] =	sst s25  }
0xa6: {  	s4 =	sshll.u32 s26, $0x1;
	_ =	strace $0x8000004C;
	[dreg:$0x1] =	wrdreg $0xFFFFFFFF  }
0xa7: {  	s28 =	simm.s32 $_size_execute0_lowered;
	s2 =	sadd.s32 s2, s4;
	[dreg:$0x0] =	wrdreg $0x0  }
0xa8: {  	s4 =	sshll.u32 s28, $0x1;
	[dreg:$0x2] =	wrdreg s2  }
0xa9: {  	[dreg:$0x3] =	wrdreg s4  }
0xaa: {  	[dreg:$0x4] =	wrdreg $0xC0  }
0xab: {  	_ =	task [dreg:s6], $0x5FFFF  }
0xac: {  	[dreg:$0x1] =	wrdreg $0xFFFFFFFF  }
0xad: {  	[dreg:$0x0] =	wrdreg $0x60  }
0xae: {  	[dreg:$0x2] =	wrdreg s24  }
0xaf: {  	[dreg:$0x3] =	wrdreg $0x90000  }
0xb0: {  	[dreg:$0x4] =	wrdreg $0x9  }
0xb1: {  	_ =	task.clear_ibuf [dreg:s6], $0x5FFFF;
	_ =	strace $0x9000004C  }
0xb2: {  	s29 =	simm.s32 $0x9;
	_ =	strace $0x8000004E  }
0xb3: {  	_ =	swait.ge [sflag:s29], $0x1  }
0xb4: {  	[sflag:s29] =	ssyncadd.s32 $0xFFFFFFFF  }
0xb5: {  	_ =	strace $0x9000004E  }
0xb6: {  	_ =	sfence  }
0xb7: {  	s30 =	sld [smem:$0x0];
	_ =	sdelay $0x2  }
0xb8: {  	s31 =	sshll.u32 s1, $0xD;
	s1 =	sshrl.u32 s1, $0x2  }
0xb9: {  	s3 =	sand.u32 $0x4000, s31;
	s1 =	sadd.s32 s1, s30  }
0xba: {  	s0 =	sor.u32 s3, s0;
	s1 =	sshll.u32 s1, $0x11  }
0xbb: {  	s0 =	sor.u32 s1, s0  }
0xbc: {  	s0 =	sadd.s32 $0x8F2B, s0  }
0xbd: {  	[sflag:s0] =	ssyncadd.remote.s32 $0x1  }
0xbe: {  	_ =	sfence.sel $0xFFFF  }
0xbf: {  	[dreg:$0x0] =	wrdreg $0xFFFFFFFF;
	(pc) =	sbr.abs _section_cstart, $3  }
0xc0: {  	[dreg:$0x1] =	wrdreg $0xFFFFFFFF  }
0xc1: {  	_ =	task.clear_ibuf [dreg:s6], $0x2FFFF;
	_ =	strace $0x9FFFFFFF  }
0xc2: {  	(tm) =	ssettm $0x7FFFFFFF  }
0xc3: {  	_ =	shalt  }
tec
execute0_lowered:
.L_overlay_start_1:
0x0: {  	(tag) =	ssettag $0x1  }
0x1: {  	s6 =	rddreg [dreg:$0x0]  }
0x2: {  	s0 =	srdreg.scid;
	s2 =	rddreg [dreg:$0x1]  }
0x3: {  	s1 =	stileid.u32;
	s3 =	simm.s32 $0x0;
	s16 =	simm.s32 $0x5000  }
0x4: {  	s7 =	sand.u32 $0x1, s0;
	s0 =	rddreg [dreg:$0x2];
	s11 =	smul.u32 $0x4F000, s1  }
0x5: {  	s19 =	simm.s32 $0x0;
	[smem:$0x7FF] =	sst s3;
	s29 =	smul.u32 $0x13800, s1  }
0x6: {  	s12 =	sadd.s32 $0x8F200, s6;
	s28 =	sshll.u32 s1, $0x6;
	s30 =	smul.u32 $0x4E000, s1  }
0x7: {  	s18 =	sadd.s32 $0x138000, s2;
	p0 =	sne.s32 s1, $0xF;
	s4 =	sshll.u32 s7, $0x4  }
0x8: {  	_ =	strace $0x8000004D;
	s9 =	ssub.s32 $0x2, s7;
	s25 =	smul.u32 $0x138800, s7  }
0x9: {  	s18 =	sshrl.u32 @!p0 s18, $0x3;
	s4 =	sor.u32 s1, s4;
	s10 =	sshrl.u32 s9, $0x1  }
0xa: {  	s26 =	sshrl.u32 s11, $0x2;
	s11 =	sshrl.u32 s30, $0x2;
	s5 =	smul.u32 $0x500, s4  }
0xb: {  	s4 =	sadd.s32 $0x68000, s6;
	s13 =	ssub.s32 s9, s10;
	s14 =	sadd.s32 s26, s2  }
0xc: {  	s10 =	sadd.s32 s29, s25;
	s15 =	sshrl.u32 s25, $0x3;
	s17 =	sadd.s32 s11, s2  }
0xd: {  	s10 =	sshrl.u32 s10, $0x3;
	s31 =	sadd.s32 s12, s15;
	s11 =	smax.u32 s13, $0x1  }
0xe: {  	s13 =	simm.s32 $0x1;
	s15 =	simm.s32 $0x80;
	s17 =	sshrl.u32 s17, $0x3  }
0xf: {  	s8 =	sadd.s32 s5, s6;
	s5 =	sadd.s32 $0xCE00, s6;
	s6 =	sor.u32 $0x1C01, s28  }
0x10: {  	s9 =	sadd.s32 s12, s10;
	s10 =	sadd.s32 $0x27000, s31;
	s12 =	sshrl.u32 s14, $0x3  }
0x11: {  	s14 =	simm.s32 $0x2800;
	s7 =	sadd.s32 $0x5E000, s8;
	s8 =	sadd.s32 $0x2E00, s8  }
.LBB2_1:
0x12: {  	[spmem:s12], [sflag:s6] =	dma.local [hbm:s5], $0x2780  }
0x13: {  	_ =	swait.ge [sflag:s13], $0x2780  }
0x14: {  	[sflag:s13] =	ssyncset.done $0x0  }
0x15: {  	[sflag:s13] =	ssyncadd.s32 $0xFFFFD880  }
0x16: {  	[tilespmem:s3], [sflag:$0x1] =	stream.linear.gather [hbm4b:s7+s3], $0x2800, $0x38;
	[tilespmem:$0x1CC00] =	vst v63  }
0x17: {  	_ =	swait.ge [sflag:s13], $0x2800  }
0x18: {  	[sflag:s13] =	ssyncset.done $0x0  }
0x19: {  	[sflag:s13] =	ssyncadd.s32 $0xFFFFD800  }
0x1a: {  	[tilespmem:s14], [sflag:$0x1] =	stream.linear.gather [hbm4b:s8+s3], $0x2800, $0x38;
	[tilespmem:$0x1CC00] =	vst v63  }
0x1b: {  	_ =	swait.ge [sflag:s13], $0x2800  }
0x1c: {  	[sflag:s13] =	ssyncset.done $0x0  }
0x1d: {  	[sflag:s13] =	ssyncadd.s32 $0xFFFFD800  }
0x1e: {  	s20 =	simm.s32 $0x0;
	[bflag:$0x0] =	sbarrier.arrive $0xFFFF  }
0x1f: {  	[tilespmem:s16], [sflag:$0x1] =	stream.indirect.gather [hbm4b:s4+s15], $0x80, s20, s15, $0xb8;
	[tilespmem:$0x1CC00] =	vst v63  }
0x20: {  	_ =	swait.ge [sflag:s13], $0x4000  }
0x21: {  	[sflag:s13] =	ssyncset.done $0x0  }
0x22: {  	s31 =	simm.s32 $0x2800;
	[sflag:s13] =	ssyncadd.s32 $0xFFFFC000  }
0x23: {  	[spmem:s2] =	stream.indirect.scatter.add.f32 [tilespmem:s16], [sflag:$0x1], $0x80, s31, s15, $0xb8;
	[tilespmem:$0x1CC00] =	vst v63  }
0x24: {  	_ =	swait.ge [sflag:s13], $0x4000  }
0x25: {  	s21 =	simm.s32 $0x400;
	s20 =	simm.s32 $0x200;
	[sflag:s13] =	ssyncset.done $0x0  }
.LBB2_2:
0x26: {  	s22 =	sshra.s32 s20, $0x2  }
0x27: {  	[sflag:s13] =	ssyncadd.s32 $0xFFFFC000;
	s20 =	smov.u32 s21;
	s23 =	sadd.s32 $0x200, s21  }
0x28: {  	[tilespmem:s16], [sflag:$0x1] =	stream.indirect.gather [hbm4b:s4+s15], $0x80, s22, s15, $0xb8;
	[tilespmem:$0x1CC00] =	vst v63  }
0x29: {  	p1 =	sne.s32 s21, $0x9E00;
	_ =	swait.ge [sflag:s13], $0x4000  }
.Ltmp0:
0x2a: {  	[sflag:s13] =	ssyncset.done $0x0;
	(pc) =	sbr.rel @p1 .LBB2_2-.Ltmp0, $4  }
0x2b: {  	s21 =	sadd.s32 $0x2800, s22;
	[sflag:s13] =	ssyncadd.s32 $0xFFFFC000  }
0x2c: {  	[spmem:s2] =	stream.indirect.scatter.add.f32 [tilespmem:s16], [sflag:$0x1], $0x80, s21, s15, $0xb8;
	[tilespmem:$0x1CC00] =	vst v63  }
0x2d: {  	_ =	swait.ge [sflag:s13], $0x4000  }
0x2e: {  	s21 =	smov.u32 s23;
	[sflag:s13] =	ssyncset.done $0x0  }
0x2f: {  	s20 =	sshra.s32 s20, $0x2;
	[sflag:s13] =	ssyncadd.s32 $0xFFFFC000  }
0x30: {  	[tilespmem:s16], [sflag:$0x1] =	stream.indirect.gather [hbm4b:s4+s15], $0x80, s20, s15, $0xb8;
	[tilespmem:$0x1CC00] =	vst v63  }
0x31: {  	_ =	swait.ge [sflag:s13], $0x4000  }
0x32: {  	[sflag:s13] =	ssyncset.done $0x0  }
0x33: {  	s20 =	sadd.s32 $0x2800, s20;
	[sflag:s13] =	ssyncadd.s32 $0xFFFFC000  }
0x34: {  	[spmem:s2] =	stream.indirect.scatter.add.f32 [tilespmem:s16], [sflag:$0x1], $0x80, s20, s15, $0xb8;
	[tilespmem:$0x1CC00] =	vst v63  }
0x35: {  	_ =	swait.ge [sflag:s13], $0x4000  }
0x36: {  	[sflag:s13] =	ssyncset.done $0x0  }
0x37: {  	[sflag:s13] =	ssyncadd.s32 $0xFFFFC000  }
0x38: {  	[bflag:$0x0] =	sbarrier.arrive $0xFFFF  }
0x39: {  	[hbm:s9], [sflag:s6] =	dma.local [spmem:s17], $0x2700  }
0x3a: {  	s19 =	sadd.s32 $0x1, s19;
	_ =	swait.ge [sflag:s13], $0x2700  }
0x3b: {  	p1 =	sne.s32 s19, s11;
	[sflag:s13] =	ssyncset.done $0x0  }
.Ltmp1:
0x3c: {  	s20 =	simm.s32 @!p0 $0x1;
	[sflag:s13] =	ssyncadd.s32 $0xFFFFD900;
	(pc) =	sbr.rel @p1 .LBB2_1-.Ltmp1, $4  }
0x3d: {  	[hbm:s10], [sflag:s6] =	dma.local @!p0 [spmem:s18], $0x100  }
0x3e: {  	_ =	swait.ge @!p0 [sflag:s20], $0x100  }
0x3f: {  	[sflag:s20] =	ssyncset.done @!p0 $0x0  }
0x40: {  	[sflag:s20] =	ssyncadd.s32 @!p0 $0xFFFFFF00  }
0x41: {  	_ =	sfence.sel $0x180000  }
0x42: {  	[bflag:$0x0] =	sbarrier.arrive $0xFFFF  }
0x43: {  	p0 =	sne.s32 s1, $0x0;
	_ =	strace $0x9000004D  }
0x44: {  	s0 =	sadd.s32 @!p0 $0x100000, s0;
	[bflag:$0x2] =	sbarrier.arrive $0xFFFF  }
0x45: {  	[sflag:s0] =	ssyncadd.tile.s32 @!p0 $0x1;
	_ =	shalt  }
.Lfunc_end2:
_tile_overlayer_lowered:
.L_overlay_start_2:
0x46: {  	(tag) =	ssettag $0x2  }
0x47: {  	s0 =	rddreg [dreg:$0x0];
	s2 =	stileid.u32  }
0x48: {  	s1 =	rddreg [dreg:$0x1];
	p0 =	sne.s32 s2, $0x0  }
0x49: {  	s3 =	rddreg [dreg:$0x2];
	[bflag:$0x3] =	sbarrier.arrive $0xFFFF;
	s2 =	simm.s32 @!p0 $0x1C01  }
0x4a: {  	[timem:s3], [sflag:s2] =	dma.local @!p0 [hbm:s0], s1  }
0x4b: {  	s0 =	simm.s32 @!p0 $0x1  }
0x4c: {  	_ =	swait.ge @!p0 [sflag:s0], s1  }
0x4d: {  	s1 =	ssub.s32 @!p0 $0x0, s1;
	[sflag:s0] =	ssyncset.done @!p0 $0x0  }
0x4e: {  	[sflag:s0] =	ssyncadd.s32 @!p0 s1  }
0x4f: {  	[bflag:$0x3] =	sbarrier.arrive $0xFFFF  }
0x50: {  	_ =	shalt  }

// kernel: kernel.8.cloned.1.call-start
scs
__scs_entry_jumppad:
0x0: {  	(pc) =	sbr.rel $0x88, $3  }
0x1: {  	(tag) =	ssettag $0x0;
	lr =	simm.s32 $0x1  }
0x2: {  	[smem:$0x3F98] =	sst lr;
	_ =	strace $0xD0000000  }
0x3: {  	_ = 	snop  }
0x4: {  	_ = 	snop  }
0x5: {  	_ = 	snop  }
0x6: {  	_ = 	snop  }
0x7: {  	_ = 	snop  }
__scs_overlays_trampoline_lowered:
0x8: {  	[smem:$0x3FA7] =	sst s0  }
0x9: {  	[smem:$0x3FA8] =	sst s1  }
0xa: {  	[smem:$0x3FA9] =	sst s2  }
0xb: {  	[smem:$0x3FAA] =	sst s3  }
0xc: {  	[smem:$0x3FAB] =	sst s4  }
0xd: {  	[smem:$0x3FAC] =	sst s5  }
0xe: {  	[smem:$0x3FAD] =	sst s6  }
0xf: {  	[smem:$0x3FAE] =	sst s7  }
0x10: {  	[smem:$0x3FAF] =	sst s8  }
0x11: {  	[smem:$0x3FB0] =	sst s9;
	s0 =	simm.s32 @!p0 $0x0  }
0x12: {  	s1 =	sld [smem:$0x3F96];
	s0 =	simm.s32 @p0 $0x1  }
0x13: {  	[smem:$0x3FB1] =	sst s0;
	s0 =	simm.s32 @!p1 $0x0  }
0x14: {  	s2 =	sld [smem:$0x3F95];
	s0 =	simm.s32 @p1 $0x1  }
0x15: {  	[smem:$0x3FB2] =	sst s0;
	s0 =	simm.s32 @!p2 $0x0  }
0x16: {  	s3 =	sld [smem:$0x3FDB];
	s0 =	simm.s32 @p2 $0x1  }
0x17: {  	s4 =	simm.s32 $0x1BF5;
	[smem:$0x3FB4] =	sst s0  }
0x18: {  	s0 =	sld [smem:$0x3F97];
	_ =	swait.ge [sflag:s4], $0x0  }
0x19: {  	s7 =	sld [smem:$0x3F98]  }
0x1a: {  	s8 =	sadd.s32 $0xFFFFE003, lr  }
0x1b: {  	s9 =	sadd.s32 $0xFFFFFEF7, lr;
	s5 =	simm.s32 $0xFFFFFFFF;
	p2 =	slt.u32 s8, $0xFFFFF086  }
0x1c: {  	p1 =	slt.u32 s9, $0xF7A;
	s5 =	simm.s32 @!p2 $0x0  }
0x1d: {  	s5 =	simm.s32 @p1 $0x1;
	p0 =	seq.s32 s7, s2  }
0x1e: {  	s7 =	smul.u32 @!p0 $0xF7A, s2;
	p2 =	seq.s32 @!p0 s5, $0x0  }
0x1f: {  	s9 =	smul.u32 $0xF7A, s1;
	s8 =	simm.s32 @!p0 $0x1BF5;
	p2 =	por !p2, p0  }
0x20: {  	[sflag:s8] =	ssyncset.s32 @!p0 $0xFFFFF086;
	s6 =	sadd.s32 @!p0 s3, s7;
	s7 =	simm.s32 @!p0 $0x108  }
0x21: {  	s3 =	sadd.s32 s3, s9;
	s6 =	sadd.s32 @!p0 $0x88, s6;
	s7 =	simm.s32 @p2 $0x1082  }
0x22: {  	[simem:s7], [sflag:s8] =	dma.local @!p0 [hbm:s6], $0xF7A  }
0x23: {  	s9 =	sor.u32 $0xD0000000, s2;
	s6 =	simm.s32 $0x108;
	_ =	swait.ge @!p0 [sflag:s8], $0x0  }
0x24: {  	s3 =	sadd.s32 $0x88, s3;
	s6 =	simm.s32 @!p1 $0x1082;
	[sflag:s4] =	ssyncset.s32 $0xFFFFF086  }
0x25: {  	[simem:s6], [sflag:s4] =	dma.local [hbm:s3], $0xF7A  }
0x26: {  	[smem:$0x3F98] =	sst s1;
	(tag) =	ssettag s2;
	_ =	strace s9  }
0x27: {  	s1 =	sld [smem:$0x3FA8]  }
0x28: {  	s2 =	sld [smem:$0x3FA9]  }
0x29: {  	s4 =	sld [smem:$0x3FAB]  }
0x2a: {  	p0 =	seq.s32 s5, $0x0;
	s5 =	sld [smem:$0x3FAC]  }
0x2b: {  	s6 =	sld [smem:$0x3FAD]  }
0x2c: {  	s7 =	sld [smem:$0x3FAE]  }
0x2d: {  	s3 =	simm.s32 $0x108;
	s8 =	sld [smem:$0x3FAF]  }
0x2e: {  	s3 =	simm.s32 @!p0 $0x1082;
	s9 =	sld [smem:$0x3FB0]  }
0x2f: {  	lr =	sadd.s32 s0, s3;
	s0 =	sld [smem:$0x3FA7]  }
0x30: {  	s3 =	sld [smem:$0x3FAA]  }
0x31: {  	[smem:$0x3FB3] =	sst s10  }
0x32: {  	s10 =	sld [smem:$0x3FB1];
	_ =	sdelay $0x3  }
0x33: {  	p0 =	seq.s32 s10, $0x1;
	s10 =	sld [smem:$0x3FB3];
	_ =	sdelay $0x3  }
0x34: {  	[smem:$0x3FB3] =	sst s10  }
0x35: {  	s10 =	sld [smem:$0x3FB2];
	_ =	sdelay $0x3  }
0x36: {  	p1 =	seq.s32 s10, $0x1;
	s10 =	sld [smem:$0x3FB3];
	_ =	sdelay $0x3  }
0x37: {  	[smem:$0x3FB3] =	sst s10  }
0x38: {  	s10 =	sld [smem:$0x3FB4]  }
0x39: {  	_ = 	snop;
	(pc) =	sbr.ind lr, $3  }
0x3a: {  	_ = 	snop  }
0x3b: {  	_ = 	snop  }
0x3c: {  	p2 =	seq.s32 s10, $0x1;
	s10 =	sld [smem:$0x3FB3]  }
0x3d: {  	_ =	shalt  }
0x3e: {  	_ =	shalt  }
0x3f: {  	_ =	shalt  }
0x40: {  	_ =	shalt  }
0x41: {  	_ =	shalt  }
0x42: {  	_ =	shalt  }
0x43: {  	_ =	shalt  }
0x44: {  	_ =	shalt  }
0x45: {  	_ =	shalt  }
0x46: {  	_ =	shalt  }
0x47: {  	_ =	shalt  }
0x48: {  	_ =	shalt  }
0x49: {  	_ =	shalt  }
0x4a: {  	_ =	shalt  }
0x4b: {  	_ =	shalt  }
0x4c: {  	_ =	shalt  }
0x4d: {  	_ =	shalt  }
0x4e: {  	_ =	shalt  }
0x4f: {  	_ =	shalt  }
0x50: {  	_ =	shalt  }
0x51: {  	_ =	shalt  }
0x52: {  	_ =	shalt  }
0x53: {  	_ =	shalt  }
0x54: {  	_ =	shalt  }
0x55: {  	_ =	shalt  }
0x56: {  	_ =	shalt  }
0x57: {  	_ =	shalt  }
0x58: {  	_ =	shalt  }
0x59: {  	_ =	shalt  }
0x5a: {  	_ =	shalt  }
0x5b: {  	_ =	shalt  }
0x5c: {  	_ =	shalt  }
0x5d: {  	_ =	shalt  }
0x5e: {  	_ =	shalt  }
0x5f: {  	_ =	shalt  }
0x60: {  	_ =	shalt  }
0x61: {  	_ =	shalt  }
0x62: {  	_ =	shalt  }
0x63: {  	_ =	shalt  }
0x64: {  	_ =	shalt  }
0x65: {  	_ =	shalt  }
0x66: {  	_ =	shalt  }
0x67: {  	_ =	shalt  }
0x68: {  	_ =	shalt  }
0x69: {  	_ =	shalt  }
0x6a: {  	_ =	shalt  }
0x6b: {  	_ =	shalt  }
0x6c: {  	_ =	shalt  }
0x6d: {  	_ =	shalt  }
0x6e: {  	_ =	shalt  }
0x6f: {  	_ =	shalt  }
0x70: {  	_ =	shalt  }
0x71: {  	_ =	shalt  }
0x72: {  	_ =	shalt  }
0x73: {  	_ =	shalt  }
0x74: {  	_ =	shalt  }
0x75: {  	_ =	shalt  }
0x76: {  	_ =	shalt  }
0x77: {  	_ =	shalt  }
0x78: {  	_ =	shalt  }
0x79: {  	_ =	shalt  }
0x7a: {  	_ =	shalt  }
0x7b: {  	_ =	shalt  }
0x7c: {  	_ =	shalt  }
0x7d: {  	_ =	shalt  }
0x7e: {  	_ =	shalt  }
0x7f: {  	_ =	shalt  }
0x80: {  	_ =	shalt  }
0x81: {  	_ =	shalt  }
0x82: {  	_ =	shalt  }
0x83: {  	_ =	shalt  }
0x84: {  	_ =	shalt  }
0x85: {  	_ =	shalt  }
0x86: {  	_ =	shalt  }
0x87: {  	_ =	shalt  }
.Lfunc_end0:
.L_simem_size_0:
called_computation_lowered:
.L_overlay_start_0:
0x88: {  	s2 =	sld [smem:$0x3FD9]  }
0x89: {  	s3 =	sld [smem:$0x3FFE];
	_ =	sdelay $0x1  }
0x8a: {  	s1 =	srdreg.scid  }
0x8b: {  	s0 =	sand.u32 $0x1, s1  }
0x8c: {  	s16 =	sshll.u32 s0, $0xA;
	s2 =	sadd.s32 s3, s2  }
0x8d: {  	s2 =	sadd.s32 s2, s16  }
0x8e: {  	[smem:$0x3FBF] =	sst s2  }
0x8f: {  	_ = 	snop  }
0x90: {  	(tm) =	ssettm $0x1  }
0x91: {  	s17 =	sld [smem:$0x3FFB];
	_ =	sdelay $0x3  }
0x92: {  	_ =	strace s17  }
0x93: {  	s2 =	sld [smem:$0x3FFC];
	_ =	sdelay $0x3  }
0x94: {  	_ =	strace s2  }
0x95: {  	s2 =	sld [smem:$0x3FFD];
	_ =	sdelay $0x3  }
0x96: {  	_ =	strace s2  }
0x97: {  	_ =	strace $0x8FFFFFFF  }
0x98: {  	s18 =	sld [smem:$0x3FDB];
	_ =	sdelay $0x1  }
0x99: {  	s19 =	simm.s32 $_scs_section_size  }
0x9a: {  	s4 =	simm.s32 $_size__tile_overlayer_lowered;
	s5 =	simm.s32 $_tile_overlayer_lowered  }
0x9b: {  	s22 =	simm.s32 $0x1BFF;
	s21 =	sshll.u32 s5, $0x1;
	s2 =	sadd.s32 s19, s18  }
0x9c: {  	s6 =	simm.s32 $0x0;
	s20 =	sshll.u32 s4, $0x1;
	s4 =	sadd.s32 s21, s2  }
0x9d: {  	[timem:s6], [sflag:s22] =	dma.local [hbm:s4], s20  }
0x9e: {  	_ =	swait.ge [sflag:s22], s20  }
0x9f: {  	s3 =	ssub.s32 $0x0, s20;
	[sflag:s22] =	ssyncset.done $0x0  }
0xa0: {  	[sflag:s22] =	ssyncadd.s32 s3;
	_ =	sdelay $0x1  }
0xa1: {  	s23 =	simm.s32 $0x1B8B  }
0xa2: {  	_ =	swait.ge [sflag:s23], $0x1  }
0xa3: {  	[sflag:s23] =	ssyncset.done $0x0  }
0xa4: {  	s25 =	simm.s32 $0x1B8E;
	s24 =	sld [smem:$0x3FFE];
	[sflag:s23] =	ssyncadd.s32 $0xFFFFFFFF  }
0xa5: {  	s26 =	simm.s32 $execute0_lowered;
	[smem:$0x3FD2] =	sst s25  }
0xa6: {  	s4 =	sshll.u32 s26, $0x1;
	_ =	strace $0x80000046;
	[dreg:$0x1] =	wrdreg $0xFFFFFFFF  }
0xa7: {  	s28 =	simm.s32 $_size_execute0_lowered;
	s2 =	sadd.s32 s2, s4;
	[dreg:$0x0] =	wrdreg $0x0  }
0xa8: {  	s4 =	sshll.u32 s28, $0x1;
	[dreg:$0x2] =	wrdreg s2  }
0xa9: {  	[dreg:$0x3] =	wrdreg s4  }
0xaa: {  	[dreg:$0x4] =	wrdreg $0xC0  }
0xab: {  	_ =	task [dreg:s6], $0x5FFFF  }
0xac: {  	[dreg:$0x1] =	wrdreg $0xFFFFFFFF  }
0xad: {  	[dreg:$0x0] =	wrdreg $0x60  }
0xae: {  	[dreg:$0x2] =	wrdreg s24  }
0xaf: {  	[dreg:$0x3] =	wrdreg $0x68000  }
0xb0: {  	[dreg:$0x4] =	wrdreg $0x9  }
0xb1: {  	_ =	task.clear_ibuf [dreg:s6], $0x5FFFF;
	_ =	strace $0x90000046  }
0xb2: {  	s29 =	simm.s32 $0x9;
	_ =	strace $0x80000048  }
0xb3: {  	_ =	swait.ge [sflag:s29], $0x1  }
0xb4: {  	[sflag:s29] =	ssyncadd.s32 $0xFFFFFFFF  }
0xb5: {  	_ =	strace $0x90000048  }
0xb6: {  	_ =	sfence  }
0xb7: {  	s30 =	sld [smem:$0x0];
	_ =	sdelay $0x2  }
0xb8: {  	s31 =	sshll.u32 s1, $0xD;
	s1 =	sshrl.u32 s1, $0x2  }
0xb9: {  	s3 =	sand.u32 $0x4000, s31;
	s1 =	sadd.s32 s1, s30  }
0xba: {  	s0 =	sor.u32 s3, s0;
	s1 =	sshll.u32 s1, $0x11  }
0xbb: {  	s0 =	sor.u32 s1, s0  }
0xbc: {  	s0 =	sadd.s32 $0x8F2B, s0  }
0xbd: {  	[sflag:s0] =	ssyncadd.remote.s32 $0x1  }
0xbe: {  	_ =	sfence.sel $0xFFFF  }
0xbf: {  	[dreg:$0x0] =	wrdreg $0xFFFFFFFF;
	(pc) =	sbr.abs _section_cstart, $3  }
0xc0: {  	[dreg:$0x1] =	wrdreg $0xFFFFFFFF  }
0xc1: {  	_ =	task.clear_ibuf [dreg:s6], $0x2FFFF;
	_ =	strace $0x9FFFFFFF  }
0xc2: {  	(tm) =	ssettm $0x7FFFFFFF  }
0xc3: {  	_ =	shalt  }
tec
execute0_lowered:
.L_overlay_start_1:
0x0: {  	(tag) =	ssettag $0x1  }
0x1: {  	s0 =	srdreg.scid;
	s7 =	rddreg [dreg:$0x0]  }
0x2: {  	s2 =	rddreg [dreg:$0x1];
	s3 =	simm.s32 $0x0;
	s15 =	simm.s32 $0x1  }
0x3: {  	s18 =	simm.s32 $0x0;
	s6 =	sand.u32 $0x1, s0;
	s0 =	stileid.u32  }
0x4: {  	[smem:$0x7FF] =	sst s3;
	s5 =	sadd.s32 $0xCE00, s7;
	s10 =	smul.u32 $0x4F000, s0  }
0x5: {  	s11 =	sadd.s32 $0xFE00, s7;
	s17 =	sadd.s32 $0x138000, s2;
	s12 =	smul.u32 $0x138800, s6  }
0x6: {  	s1 =	sshll.u32 s6, $0x4;
	s9 =	ssub.s32 $0x2, s6;
	s24 =	smul.u32 $0x13800, s0  }
0x7: {  	s25 =	sshll.u32 s0, $0x6;
	s26 =	smul.u32 $0x4E000, s0;
	p0 =	sne.s32 s0, $0xF  }
0x8: {  	s4 =	sor.u32 s0, s1;
	s1 =	rddreg [dreg:$0x2];
	_ =	strace $0x80000047  }
0x9: {  	s22 =	sshrl.u32 s9, $0x1;
	s6 =	sor.u32 $0x1C02, s25;
	s17 =	sshrl.u32 @!p0 s17, $0x3  }
0xa: {  	s4 =	smul.u32 $0x500, s4;
	s13 =	ssub.s32 s9, s22;
	s23 =	sshrl.u32 s10, $0x2  }
0xb: {  	s28 =	sadd.s32 s24, s12;
	s29 =	sshrl.u32 s26, $0x2;
	s30 =	sshrl.u32 s12, $0x3  }
0xc: {  	s12 =	simm.s32 $0x2;
	s14 =	sadd.s32 s23, s2;
	s16 =	sadd.s32 s29, s2  }
0xd: {  	s31 =	sadd.s32 s11, s30;
	s10 =	smax.u32 s13, $0x1;
	s13 =	simm.s32 $0x2800  }
0xe: {  	s8 =	sadd.s32 s4, s7;
	s4 =	sadd.s32 $0xF600, s7;
	s9 =	sadd.s32 $0x27000, s31  }
0xf: {  	s16 =	sshrl.u32 s16, $0x3;
	s7 =	sadd.s32 $0x2E00, s8;
	s8 =	sshrl.u32 s28, $0x3  }
0x10: {  	s8 =	sadd.s32 s11, s8;
	s11 =	sshrl.u32 s14, $0x3;
	s14 =	simm.s32 $0x80  }
.LBB2_1:
0x11: {  	[spmem:s11], [sflag:s6] =	dma.local [hbm:s5], $0x2780  }
0x12: {  	_ =	swait.ge [sflag:s12], $0x2780  }
0x13: {  	[sflag:s12] =	ssyncset.done $0x0  }
0x14: {  	[sflag:s12] =	ssyncadd.s32 $0xFFFFD880  }
0x15: {  	[tilespmem:s13], [sflag:$0x2] =	stream.linear.gather [hbm4b:s4+s3], $0x4000, $0x38;
	[tilespmem:$0x1A400] =	vst v63  }
0x16: {  	_ =	swait.ge [sflag:s12], $0x4000  }
0x17: {  	[sflag:s12] =	ssyncset.done $0x0  }
0x18: {  	[sflag:s12] =	ssyncadd.s32 $0xFFFFC000  }
0x19: {  	[tilespmem:s3], [sflag:$0x2] =	stream.linear.gather [hbm4b:s7+s3], $0x2800, $0x38;
	[tilespmem:$0x1A400] =	vst v63  }
0x1a: {  	_ =	swait.ge [sflag:s12], $0x2800  }
0x1b: {  	[sflag:s12] =	ssyncset.done $0x0  }
0x1c: {  	[sflag:s12] =	ssyncadd.s32 $0xFFFFD800  }
0x1d: {  	s19 =	simm.s32 $0x0;
	[bflag:$0x0] =	sbarrier.arrive $0xFFFF  }
.LBB2_2:
0x1e: {  	p1 =	sne.s32 s19, $0x9E00  }
.Ltmp0:
0x1f: {  	_ = 	snop;
	(pc) =	sbr.rel @p1 .LBB2_2-.Ltmp0, $3  }
0x20: {  	_ =	sdelay $0x1  }
0x21: {  	s20 =	sshra.s32 s19, $0x2;
	s19 =	sadd.s32 $0x200, s19  }
0x22: {  	[spmem:s2] =	stream.indirect.scatter.add.f32 [tilespmem:s13], [sflag:$0x1], $0x80, s20, s14, $0xb8;
	[tilespmem:$0x1A400] =	vst v63  }
0x23: {  	_ =	swait.ge [sflag:s15], $0x4000  }
0x24: {  	s19 =	simm.s32 $0x4F;
	[sflag:s15] =	ssyncset.done $0x0  }
.LBB2_4:
0x25: {  	p1 =	sne.s32 s19, $0x1;
	s19 =	sadd.s32 $0xFFFFFFFF, s19;
	[sflag:s15] =	ssyncadd.s32 $0xFFFFC000  }
.Ltmp1:
0x26: {  	(pc) =	sbr.rel @p1 .LBB2_4-.Ltmp1, $3  }
0x27: {  	_ =	sdelay $0x1  }
0x28: {  	_ =	swait.ge [sflag:s15], $0x4000  }
0x29: {  	[sflag:s15] =	ssyncset.done $0x0  }
0x2a: {  	[sflag:s15] =	ssyncadd.s32 $0xFFFFC000  }
0x2b: {  	[bflag:$0x0] =	sbarrier.arrive $0xFFFF  }
0x2c: {  	[hbm:s8], [sflag:s6] =	dma.local [spmem:s16], $0x2700  }
0x2d: {  	s18 =	sadd.s32 $0x1, s18;
	_ =	swait.ge [sflag:s12], $0x2700  }
0x2e: {  	p1 =	sne.s32 s18, s10;
	[sflag:s12] =	ssyncset.done $0x0  }
.Ltmp2:
0x2f: {  	s19 =	simm.s32 @!p0 $0x2;
	[sflag:s12] =	ssyncadd.s32 $0xFFFFD900;
	(pc) =	sbr.rel @p1 .LBB2_1-.Ltmp2, $4  }
0x30: {  	[hbm:s9], [sflag:s6] =	dma.local @!p0 [spmem:s17], $0x100  }
0x31: {  	_ =	swait.ge @!p0 [sflag:s19], $0x100  }
0x32: {  	[sflag:s19] =	ssyncset.done @!p0 $0x0  }
0x33: {  	[sflag:s19] =	ssyncadd.s32 @!p0 $0xFFFFFF00  }
0x34: {  	_ =	sfence.sel $0x180000  }
0x35: {  	[bflag:$0x0] =	sbarrier.arrive $0xFFFF  }
0x36: {  	p0 =	sne.s32 s0, $0x0;
	_ =	strace $0x90000047  }
0x37: {  	s0 =	sadd.s32 @!p0 $0x100000, s1;
	[bflag:$0x2] =	sbarrier.arrive $0xFFFF  }
0x38: {  	[sflag:s0] =	ssyncadd.tile.s32 @!p0 $0x1;
	_ =	shalt  }
.Lfunc_end2:
_tile_overlayer_lowered:
.L_overlay_start_2:
0x39: {  	(tag) =	ssettag $0x2  }
0x3a: {  	s0 =	rddreg [dreg:$0x0];
	s2 =	stileid.u32  }
0x3b: {  	s1 =	rddreg [dreg:$0x1];
	p0 =	sne.s32 s2, $0x0  }
0x3c: {  	s3 =	rddreg [dreg:$0x2];
	[bflag:$0x3] =	sbarrier.arrive $0xFFFF;
	s2 =	simm.s32 @!p0 $0x1C02  }
0x3d: {  	[timem:s3], [sflag:s2] =	dma.local @!p0 [hbm:s0], s1  }
0x3e: {  	s0 =	simm.s32 @!p0 $0x2  }
0x3f: {  	_ =	swait.ge @!p0 [sflag:s0], s1  }
0x40: {  	s1 =	ssub.s32 @!p0 $0x0, s1;
	[sflag:s0] =	ssyncset.done @!p0 $0x0  }
0x41: {  	[sflag:s0] =	ssyncadd.s32 @!p0 s1  }
0x42: {  	[bflag:$0x3] =	sbarrier.arrive $0xFFFF  }
0x43: {  	_ =	shalt  }

</sc_bundles>
